<compile_context>
chip_gen: v7x
topology: tpu7x:2x2x1
jax: 0.10.2.dev20260603
libtpu: 0.0.44.dev20260713+nightly
codegen_flags: <defaults>
</compile_context>

<pallas_src>
import functools

import jax
import jax.numpy as jnp
from jax import lax
from jax.experimental import pallas as pl
from jax.experimental.pallas import tpu as pltpu
from jax.experimental.pallas import tpu_sc as plsc

L = 16
NW = 32
D = 256
DV = D // L
C = 64
PB = 32


def _decoder_body(E, z_hbm, idx_hbm, out_hbm,
                  cidx_v, g0_v, pbuf_v, outv_v, ss0, ss1):
    nchunk = E // C
    bnk = nchunk // NW
    rem = nchunk - bnk * NW
    maxnk = bnk + (1 if rem else 0)
    wid = lax.axis_index("c") * 16 + lax.axis_index("s")
    nk = jnp.where(wid < rem, bnk + 1, bnk)
    start_chunk = wid * bnk + jnp.minimum(wid, rem)
    ebase = start_chunk * C

    pltpu.sync_copy(idx_hbm.at[pl.ds(ebase * 2, maxnk * 2 * C)], cidx_v)

    def start(c):
        par = c % 2

        @pl.when(par == 0)
        def _():
            pltpu.async_copy(z_hbm.at[cidx_v.at[pl.ds(c * 2 * C, 2 * C)]],
                             g0_v.at[pl.ds(0, 2 * C)], ss0)

        @pl.when(par == 1)
        def _():
            pltpu.async_copy(z_hbm.at[cidx_v.at[pl.ds(c * 2 * C, 2 * C)]],
                             g0_v.at[pl.ds(2 * C, 2 * C)], ss1)

    def wait(c):
        par = c % 2

        @pl.when(par == 0)
        def _():
            pltpu.make_async_copy(z_hbm.at[cidx_v.at[pl.ds(c * 2 * C, 2 * C)]],
                                  g0_v.at[pl.ds(0, 2 * C)], ss0).wait()

        @pl.when(par == 1)
        def _():
            pltpu.make_async_copy(z_hbm.at[cidx_v.at[pl.ds(c * 2 * C, 2 * C)]],
                                  g0_v.at[pl.ds(2 * C, 2 * C)], ss1).wait()

    lanes = lax.broadcasted_iota(jnp.int32, (L,), 0)
    maskf = [jnp.where(lanes == e, 1.0, 0.0).astype(jnp.float32)
             for e in range(L)]

    def compute(c):
        rowb = (c % 2) * 2 * C

        def group_body(g, _):
            def edge_body(e, res):
                srow = rowb + g * L + e
                drow = srow + C
                acc = (g0_v[srow, pl.ds(0, L)] * g0_v[drow, pl.ds(0, L)])
                for i in range(1, DV):
                    acc = acc + (g0_v[srow, pl.ds(i * L, L)]
                                 * g0_v[drow, pl.ds(i * L, L)])
                pbuf_v[pl.ds(e * PB, L)] = acc
                for h in (8, 4, 2):
                    acc = acc + pbuf_v[pl.ds(e * PB + h, L)]
                    pbuf_v[pl.ds(e * PB, L)] = acc
                return jnp.where(lanes == e,
                                 pbuf_v[pl.ds((PB - 1) * e, L)]
                                 + pbuf_v[pl.ds((PB - 1) * e + 1, L)], res)

            res = lax.fori_loop(0, L, edge_body,
                                jnp.zeros((L,), jnp.float32))
            outv_v[pl.ds(g * L, L)] = 1.0 / (1.0 + jnp.exp(-res))
            return 0

        lax.fori_loop(0, C // L, group_body, 0)
        pltpu.sync_copy(outv_v, out_hbm.at[pl.ds(ebase + c * C, C)])

    start(0)

    def pipe_body(c, _):
        @pl.when(c + 1 < nk)
        def _():
            start(c + 1)

        @pl.when(c < nk)
        def _():
            wait(c)
            compute(c)

        return 0

    lax.fori_loop(0, maxnk, pipe_body, 0)


def kernel(z, edge_index):
    E = edge_index.shape[1]
    nchunk = E // C
    bnk = nchunk // NW
    rem = nchunk % NW
    maxnk = bnk + (1 if rem else 0)
    npadc = nchunk + (1 if rem else 0)
    pad = npadc * C - E
    src = jnp.pad(edge_index[0], (0, pad)).reshape(npadc, C)
    dst = jnp.pad(edge_index[1], (0, pad)).reshape(npadc, C)
    idx = jnp.stack([src, dst], axis=1).reshape(-1)

    mesh = plsc.VectorSubcoreMesh(core_axis_name="c", subcore_axis_name="s")
    body = functools.partial(_decoder_body, E)
    f = pl.kernel(
        body,
        out_type=jax.ShapeDtypeStruct((E,), jnp.float32),
        mesh=mesh,
        scratch_types=[
            pltpu.VMEM((maxnk * 2 * C,), jnp.int32),
            pltpu.VMEM((4 * C, D), jnp.float32),
            pltpu.VMEM((L * PB + L,), jnp.float32),
            pltpu.VMEM((C,), jnp.float32),
            pltpu.SemaphoreType.DMA,
            pltpu.SemaphoreType.DMA,
        ],
    )
    return f(z, idx)

# --- scband reference (transcript-rebuilt; emitter-appended) ---
"""Pipeline reference for scband-inner-product-decoder-jittable-88210038326467 (READ-ONLY COPY).

The authoritative reference and input builder live on the scoring server;
editing this copy changes nothing except your own understanding.
"""

import jax, jax.numpy as jnp
import numpy as np


def setup_inputs(seed: int = 0) -> dict:
    key = jax.random.key(seed)
    k1, k2 = jax.random.split(key)
    z = jax.random.normal(k1, (10000, 256), dtype=jnp.float32)
    edge_index = jax.random.randint(k2, (2, 160000), 0, 10000, dtype=jnp.int64 if jax.config.jax_enable_x64 else jnp.int32).astype(jnp.int32)
    return {"z": z, "edge_index": edge_index}


def reference(z, edge_index):
    # InnerProductDecoder: sigmoid((z[src] * z[dst]).sum(-1))
    src = jnp.take(z, edge_index[0], axis=0)
    dst = jnp.take(z, edge_index[1], axis=0)
    value = jnp.sum(src * dst, axis=1)
    return jax.nn.sigmoid(value)

if __name__ == "__main__":
    import jax
    _d = setup_inputs()
    print(jax.jit(kernel)(*tuple(_d.values())))

</pallas_src>

<mosaic_0001>
#map = affine_map<(d0, d1) -> (0, 0)>
#map1 = affine_map<(d0, d1) -> (0)>
module attributes {stable_mosaic.version = 14 : i64} {
  func.func @_decoder_body(%arg0: i32, %arg1: i32, %arg2: memref<10000x256xf32, #tpu.memory_space<hbm>>, %arg3: memref<320128xi32, #tpu.memory_space<hbm>>, %arg4: memref<160000xf32, #tpu.memory_space<hbm>>, %arg5: memref<10112xi32, #tpu.memory_space<vmem>>, %arg6: memref<256x256xf32, #tpu.memory_space<vmem>>, %arg7: memref<528xf32, #tpu.memory_space<vmem>>, %arg8: memref<64xf32, #tpu.memory_space<vmem>>, %arg9: memref<!tpu.dma_semaphore, #tpu.memory_space<semaphore_mem>>, %arg10: memref<!tpu.dma_semaphore, #tpu.memory_space<semaphore_mem>>) attributes {dimension_semantics = [#tpu.dimension_semantics<core_parallel>, #tpu.dimension_semantics<subcore_parallel>], iteration_bounds = array<i64: 2, 16>, scalar_prefetch = 0 : i64, scratch_operands = 6 : i64, tpu.core_type = #tpu.core_type<sc_vector_subcore>, window_params = [{transform_indices = #map}, {transform_indices = #map1}, {transform_indices = #map1}]} {
    %mul3A = arith.constant 16 : i32
    %mul3A_0 = arith.muli %arg0, %mul3A : i32
    %add3A = arith.addi %mul3A_0, %arg1 : i32
    %lt3A = arith.constant 4 : i32
    %lt3A_1 = arith.cmpi slt, %add3A, %lt3A : i32
    %jit3A = arith.constant 79 : i32
    %jit3A_2 = arith.constant 78 : i32
    %select_n3A = arith.select %lt3A_1, %jit3A, %jit3A_2 : i32
    %mul3A_3 = arith.constant 78 : i32
    %mul3A_4 = arith.muli %add3A, %mul3A_3 : i32
    %min3A = arith.constant 4 : i32
    %min3A_5 = arith.minsi %add3A, %min3A : i32
    %add3A_6 = arith.addi %mul3A_4, %min3A_5 : i32
    %mul3A_7 = arith.constant 64 : i32
    %mul3A_8 = arith.muli %add3A_6, %mul3A_7 : i32
    %mul3A_9 = arith.constant 2 : i32
    %mul3A_10 = arith.muli %mul3A_8, %mul3A_9 : i32
    "tpu.region"() ({
      %run_scoped3A = tpu.sem_alloc : memref<!tpu.dma_semaphore, #tpu.memory_space<semaphore_mem>>
      %dma_start3A_150 = tpu.memref_slice %arg3[%mul3A_10] : memref<320128xi32, #tpu.memory_space<hbm>> -> memref<10112xi32, #tpu.memory_space<hbm>>
      %dma_start3A_151 = tpu.memref_slice %arg3[%mul3A_10] : memref<320128xi32, #tpu.memory_space<hbm>> -> memref<10112xi32, #tpu.memory_space<hbm>>
      tpu.enqueue_dma source(%dma_start3A_151 : memref<10112xi32, #tpu.memory_space<hbm>>) target(%arg5 : memref<10112xi32, #tpu.memory_space<vmem>>) target_semaphore(%run_scoped3A : memref<!tpu.dma_semaphore, #tpu.memory_space<semaphore_mem>>)
      %dma_wait3A = tpu.memref_slice %arg3[%mul3A_10] : memref<320128xi32, #tpu.memory_space<hbm>> -> memref<10112xi32, #tpu.memory_space<hbm>>
      %dma_wait3A_152 = tpu.memref_slice %arg3[%mul3A_10] : memref<320128xi32, #tpu.memory_space<hbm>> -> memref<10112xi32, #tpu.memory_space<hbm>>
      tpu.wait_dma2 semaphore(%run_scoped3A : memref<!tpu.dma_semaphore, #tpu.memory_space<semaphore_mem>>) src(%dma_wait3A_152 : memref<10112xi32, #tpu.memory_space<hbm>>) dst(%arg5 : memref<10112xi32, #tpu.memory_space<vmem>>)
      tpu.yield
    }) : () -> ()
    %iota3A = tpu.iota {dimensions = array<i32: 0>} : vector<16xi32>
    %eq3A = arith.constant 0 : i32
    %eq3A_11 = vector.broadcast %eq3A : i32 to vector<16xi32>
    %eq3A_12 = arith.cmpi eq, %iota3A, %eq3A_11 : vector<16xi32>
    %jit3A_13 = arith.constant 1.000000e+00 : f32
    %jit3A_14 = arith.constant 0.000000e+00 : f32
    %broadcast_in_dim3A = vector.broadcast %jit3A_13 : f32 to vector<16xf32>
    %broadcast_in_dim3A_15 = vector.broadcast %jit3A_14 : f32 to vector<16xf32>
    %select_n3A_16 = arith.select %eq3A_12, %broadcast_in_dim3A, %broadcast_in_dim3A_15 : vector<16xi1>, vector<16xf32>
    %eq3A_17 = arith.constant 1 : i32
    %eq3A_18 = vector.broadcast %eq3A_17 : i32 to vector<16xi32>
    %eq3A_19 = arith.cmpi eq, %iota3A, %eq3A_18 : vector<16xi32>
    %jit3A_20 = arith.constant 1.000000e+00 : f32
    %jit3A_21 = arith.constant 0.000000e+00 : f32
    %broadcast_in_dim3A_22 = vector.broadcast %jit3A_20 : f32 to vector<16xf32>
    %broadcast_in_dim3A_23 = vector.broadcast %jit3A_21 : f32 to vector<16xf32>
    %select_n3A_24 = arith.select %eq3A_19, %broadcast_in_dim3A_22, %broadcast_in_dim3A_23 : vector<16xi1>, vector<16xf32>
    %eq3A_25 = arith.constant 2 : i32
    %eq3A_26 = vector.broadcast %eq3A_25 : i32 to vector<16xi32>
    %eq3A_27 = arith.cmpi eq, %iota3A, %eq3A_26 : vector<16xi32>
    %jit3A_28 = arith.constant 1.000000e+00 : f32
    %jit3A_29 = arith.constant 0.000000e+00 : f32
    %broadcast_in_dim3A_30 = vector.broadcast %jit3A_28 : f32 to vector<16xf32>
    %broadcast_in_dim3A_31 = vector.broadcast %jit3A_29 : f32 to vector<16xf32>
    %select_n3A_32 = arith.select %eq3A_27, %broadcast_in_dim3A_30, %broadcast_in_dim3A_31 : vector<16xi1>, vector<16xf32>
    %eq3A_33 = arith.constant 3 : i32
    %eq3A_34 = vector.broadcast %eq3A_33 : i32 to vector<16xi32>
    %eq3A_35 = arith.cmpi eq, %iota3A, %eq3A_34 : vector<16xi32>
    %jit3A_36 = arith.constant 1.000000e+00 : f32
    %jit3A_37 = arith.constant 0.000000e+00 : f32
    %broadcast_in_dim3A_38 = vector.broadcast %jit3A_36 : f32 to vector<16xf32>
    %broadcast_in_dim3A_39 = vector.broadcast %jit3A_37 : f32 to vector<16xf32>
    %select_n3A_40 = arith.select %eq3A_35, %broadcast_in_dim3A_38, %broadcast_in_dim3A_39 : vector<16xi1>, vector<16xf32>
    %eq3A_41 = arith.constant 4 : i32
    %eq3A_42 = vector.broadcast %eq3A_41 : i32 to vector<16xi32>
    %eq3A_43 = arith.cmpi eq, %iota3A, %eq3A_42 : vector<16xi32>
    %jit3A_44 = arith.constant 1.000000e+00 : f32
    %jit3A_45 = arith.constant 0.000000e+00 : f32
    %broadcast_in_dim3A_46 = vector.broadcast %jit3A_44 : f32 to vector<16xf32>
    %broadcast_in_dim3A_47 = vector.broadcast %jit3A_45 : f32 to vector<16xf32>
    %select_n3A_48 = arith.select %eq3A_43, %broadcast_in_dim3A_46, %broadcast_in_dim3A_47 : vector<16xi1>, vector<16xf32>
    %eq3A_49 = arith.constant 5 : i32
    %eq3A_50 = vector.broadcast %eq3A_49 : i32 to vector<16xi32>
    %eq3A_51 = arith.cmpi eq, %iota3A, %eq3A_50 : vector<16xi32>
    %jit3A_52 = arith.constant 1.000000e+00 : f32
    %jit3A_53 = arith.constant 0.000000e+00 : f32
    %broadcast_in_dim3A_54 = vector.broadcast %jit3A_52 : f32 to vector<16xf32>
    %broadcast_in_dim3A_55 = vector.broadcast %jit3A_53 : f32 to vector<16xf32>
    %select_n3A_56 = arith.select %eq3A_51, %broadcast_in_dim3A_54, %broadcast_in_dim3A_55 : vector<16xi1>, vector<16xf32>
    %eq3A_57 = arith.constant 6 : i32
    %eq3A_58 = vector.broadcast %eq3A_57 : i32 to vector<16xi32>
    %eq3A_59 = arith.cmpi eq, %iota3A, %eq3A_58 : vector<16xi32>
    %jit3A_60 = arith.constant 1.000000e+00 : f32
    %jit3A_61 = arith.constant 0.000000e+00 : f32
    %broadcast_in_dim3A_62 = vector.broadcast %jit3A_60 : f32 to vector<16xf32>
    %broadcast_in_dim3A_63 = vector.broadcast %jit3A_61 : f32 to vector<16xf32>
    %select_n3A_64 = arith.select %eq3A_59, %broadcast_in_dim3A_62, %broadcast_in_dim3A_63 : vector<16xi1>, vector<16xf32>
    %eq3A_65 = arith.constant 7 : i32
    %eq3A_66 = vector.broadcast %eq3A_65 : i32 to vector<16xi32>
    %eq3A_67 = arith.cmpi eq, %iota3A, %eq3A_66 : vector<16xi32>
    %jit3A_68 = arith.constant 1.000000e+00 : f32
    %jit3A_69 = arith.constant 0.000000e+00 : f32
    %broadcast_in_dim3A_70 = vector.broadcast %jit3A_68 : f32 to vector<16xf32>
    %broadcast_in_dim3A_71 = vector.broadcast %jit3A_69 : f32 to vector<16xf32>
    %select_n3A_72 = arith.select %eq3A_67, %broadcast_in_dim3A_70, %broadcast_in_dim3A_71 : vector<16xi1>, vector<16xf32>
    %eq3A_73 = arith.constant 8 : i32
    %eq3A_74 = vector.broadcast %eq3A_73 : i32 to vector<16xi32>
    %eq3A_75 = arith.cmpi eq, %iota3A, %eq3A_74 : vector<16xi32>
    %jit3A_76 = arith.constant 1.000000e+00 : f32
    %jit3A_77 = arith.constant 0.000000e+00 : f32
    %broadcast_in_dim3A_78 = vector.broadcast %jit3A_76 : f32 to vector<16xf32>
    %broadcast_in_dim3A_79 = vector.broadcast %jit3A_77 : f32 to vector<16xf32>
    %select_n3A_80 = arith.select %eq3A_75, %broadcast_in_dim3A_78, %broadcast_in_dim3A_79 : vector<16xi1>, vector<16xf32>
    %eq3A_81 = arith.constant 9 : i32
    %eq3A_82 = vector.broadcast %eq3A_81 : i32 to vector<16xi32>
    %eq3A_83 = arith.cmpi eq, %iota3A, %eq3A_82 : vector<16xi32>
    %jit3A_84 = arith.constant 1.000000e+00 : f32
    %jit3A_85 = arith.constant 0.000000e+00 : f32
    %broadcast_in_dim3A_86 = vector.broadcast %jit3A_84 : f32 to vector<16xf32>
    %broadcast_in_dim3A_87 = vector.broadcast %jit3A_85 : f32 to vector<16xf32>
    %select_n3A_88 = arith.select %eq3A_83, %broadcast_in_dim3A_86, %broadcast_in_dim3A_87 : vector<16xi1>, vector<16xf32>
    %eq3A_89 = arith.constant 10 : i32
    %eq3A_90 = vector.broadcast %eq3A_89 : i32 to vector<16xi32>
    %eq3A_91 = arith.cmpi eq, %iota3A, %eq3A_90 : vector<16xi32>
    %jit3A_92 = arith.constant 1.000000e+00 : f32
    %jit3A_93 = arith.constant 0.000000e+00 : f32
    %broadcast_in_dim3A_94 = vector.broadcast %jit3A_92 : f32 to vector<16xf32>
    %broadcast_in_dim3A_95 = vector.broadcast %jit3A_93 : f32 to vector<16xf32>
    %select_n3A_96 = arith.select %eq3A_91, %broadcast_in_dim3A_94, %broadcast_in_dim3A_95 : vector<16xi1>, vector<16xf32>
    %eq3A_97 = arith.constant 11 : i32
    %eq3A_98 = vector.broadcast %eq3A_97 : i32 to vector<16xi32>
    %eq3A_99 = arith.cmpi eq, %iota3A, %eq3A_98 : vector<16xi32>
    %jit3A_100 = arith.constant 1.000000e+00 : f32
    %jit3A_101 = arith.constant 0.000000e+00 : f32
    %broadcast_in_dim3A_102 = vector.broadcast %jit3A_100 : f32 to vector<16xf32>
    %broadcast_in_dim3A_103 = vector.broadcast %jit3A_101 : f32 to vector<16xf32>
    %select_n3A_104 = arith.select %eq3A_99, %broadcast_in_dim3A_102, %broadcast_in_dim3A_103 : vector<16xi1>, vector<16xf32>
    %eq3A_105 = arith.constant 12 : i32
    %eq3A_106 = vector.broadcast %eq3A_105 : i32 to vector<16xi32>
    %eq3A_107 = arith.cmpi eq, %iota3A, %eq3A_106 : vector<16xi32>
    %jit3A_108 = arith.constant 1.000000e+00 : f32
    %jit3A_109 = arith.constant 0.000000e+00 : f32
    %broadcast_in_dim3A_110 = vector.broadcast %jit3A_108 : f32 to vector<16xf32>
    %broadcast_in_dim3A_111 = vector.broadcast %jit3A_109 : f32 to vector<16xf32>
    %select_n3A_112 = arith.select %eq3A_107, %broadcast_in_dim3A_110, %broadcast_in_dim3A_111 : vector<16xi1>, vector<16xf32>
    %eq3A_113 = arith.constant 13 : i32
    %eq3A_114 = vector.broadcast %eq3A_113 : i32 to vector<16xi32>
    %eq3A_115 = arith.cmpi eq, %iota3A, %eq3A_114 : vector<16xi32>
    %jit3A_116 = arith.constant 1.000000e+00 : f32
    %jit3A_117 = arith.constant 0.000000e+00 : f32
    %broadcast_in_dim3A_118 = vector.broadcast %jit3A_116 : f32 to vector<16xf32>
    %broadcast_in_dim3A_119 = vector.broadcast %jit3A_117 : f32 to vector<16xf32>
    %select_n3A_120 = arith.select %eq3A_115, %broadcast_in_dim3A_118, %broadcast_in_dim3A_119 : vector<16xi1>, vector<16xf32>
    %eq3A_121 = arith.constant 14 : i32
    %eq3A_122 = vector.broadcast %eq3A_121 : i32 to vector<16xi32>
    %eq3A_123 = arith.cmpi eq, %iota3A, %eq3A_122 : vector<16xi32>
    %jit3A_124 = arith.constant 1.000000e+00 : f32
    %jit3A_125 = arith.constant 0.000000e+00 : f32
    %broadcast_in_dim3A_126 = vector.broadcast %jit3A_124 : f32 to vector<16xf32>
    %broadcast_in_dim3A_127 = vector.broadcast %jit3A_125 : f32 to vector<16xf32>
    %select_n3A_128 = arith.select %eq3A_123, %broadcast_in_dim3A_126, %broadcast_in_dim3A_127 : vector<16xi1>, vector<16xf32>
    %eq3A_129 = arith.constant 15 : i32
    %eq3A_130 = vector.broadcast %eq3A_129 : i32 to vector<16xi32>
    %eq3A_131 = arith.cmpi eq, %iota3A, %eq3A_130 : vector<16xi32>
    %jit3A_132 = arith.constant 1.000000e+00 : f32
    %jit3A_133 = arith.constant 0.000000e+00 : f32
    %broadcast_in_dim3A_134 = vector.broadcast %jit3A_132 : f32 to vector<16xf32>
    %broadcast_in_dim3A_135 = vector.broadcast %jit3A_133 : f32 to vector<16xf32>
    %select_n3A_136 = arith.select %eq3A_131, %broadcast_in_dim3A_134, %broadcast_in_dim3A_135 : vector<16xi1>, vector<16xf32>
    %dma_start3A = arith.constant 0 : i32
    %dma_start3A_137 = arith.constant 0 : i32
    %dma_start3A_138 = tpu.memref_slice %arg6[%dma_start3A, %dma_start3A_137] : memref<256x256xf32, #tpu.memory_space<vmem>> -> memref<128x256xf32, #tpu.memory_space<vmem>>
    %dma_start3A_139 = arith.constant 0 : i32
    %dma_start3A_140 = tpu.memref_slice %arg5[%dma_start3A_139] : memref<10112xi32, #tpu.memory_space<vmem>> -> memref<128xi32, #tpu.memory_space<vmem>>
    %dma_start3A_141 = arith.constant 0 : i32
    %dma_start3A_142 = arith.constant 0 : i32
    %dma_start3A_143 = tpu.memref_slice %arg2[%dma_start3A_141, %dma_start3A_142] : memref<10000x256xf32, #tpu.memory_space<hbm>> -> memref<10000x256xf32, #tpu.memory_space<hbm>>
    tpu.enqueue_indirect_dma source(%dma_start3A_143 : memref<10000x256xf32, #tpu.memory_space<hbm>>) target(%dma_start3A_138 : memref<128x256xf32, #tpu.memory_space<vmem>>) offsets(%dma_start3A_140 : memref<128xi32, #tpu.memory_space<vmem>>) semaphore(%arg9 : memref<!tpu.dma_semaphore, #tpu.memory_space<semaphore_mem>>)
    %scan3A = arith.constant 0 : i32
    %scan3A_144 = arith.constant 0 : i32
    %scan3A_145 = arith.constant 79 : i32
    %scan3A_146 = arith.addi %scan3A_144, %scan3A_145 : i32
    %scan3A_147 = arith.constant 1 : i32
    %scan3A_148 = scf.for %scan3A_150 = %scan3A_144 to %scan3A_146 step %scan3A_147 iter_args(%scan3A_151 = %scan3A) -> (i32)  : i32 {
      %add3A_152 = arith.constant 1 : i32
      %add3A_153 = arith.addi %scan3A_150, %add3A_152 : i32
      %lt3A_154 = arith.cmpi slt, %add3A_153, %select_n3A : i32
      %convert_element_type3A = arith.extui %lt3A_154 : i1 to i32
      %cond3A = arith.constant 0 : i32
      %cond3A_155 = arith.cmpi ne, %convert_element_type3A, %cond3A : i32
      scf.if %cond3A_155 {
        %add3A_161 = arith.constant 1 : i32
        %add3A_162 = arith.addi %scan3A_150, %add3A_161 : i32
        %jit3A_163 = arith.constant 2 : i32
        %eq3A_164 = arith.constant 0 : i32
        %eq3A_165 = arith.cmpi eq, %jit3A_163, %eq3A_164 : i32
        %jit3A_166 = arith.constant 1 : i32
        %select_n3A_167 = arith.select %eq3A_165, %jit3A_166, %jit3A_163 : i32
        %rem3A = arith.remsi %add3A_162, %select_n3A_167 : i32
        %ne3A = arith.constant 0 : i32
        %ne3A_168 = arith.cmpi ne, %rem3A, %ne3A : i32
        %lt3A_169 = arith.constant 0 : i32
        %lt3A_170 = arith.cmpi slt, %rem3A, %lt3A_169 : i32
        %lt3A_171 = arith.constant 0 : i32
        %lt3A_172 = arith.cmpi slt, %select_n3A_167, %lt3A_171 : i32
        %ne3A_173 = arith.xori %lt3A_170, %lt3A_172 : i1
        %and3A = arith.andi %ne3A_173, %ne3A_168 : i1
        %add3A_174 = arith.addi %rem3A, %select_n3A_167 : i32
        %select_n3A_175 = arith.select %and3A, %add3A_174, %rem3A : i32
        %eq3A_176 = arith.constant 0 : i32
        %eq3A_177 = arith.cmpi eq, %select_n3A_175, %eq3A_176 : i32
        %convert_element_type3A_178 = arith.extui %eq3A_177 : i1 to i32
        %cond3A_179 = arith.constant 0 : i32
        %cond3A_180 = arith.cmpi ne, %convert_element_type3A_178, %cond3A_179 : i32
        scf.if %cond3A_180 {
          %mul3A_186 = arith.constant 2 : i32
          %mul3A_187 = arith.muli %add3A_162, %mul3A_186 : i32
          %mul3A_188 = arith.constant 64 : i32
          %mul3A_189 = arith.muli %mul3A_187, %mul3A_188 : i32
          %dma_start3A_190 = arith.constant 0 : i32
          %dma_start3A_191 = arith.constant 0 : i32
          %dma_start3A_192 = tpu.memref_slice %arg6[%dma_start3A_190, %dma_start3A_191] : memref<256x256xf32, #tpu.memory_space<vmem>> -> memref<128x256xf32, #tpu.memory_space<vmem>>
          %dma_start3A_193 = tpu.memref_slice %arg5[%mul3A_189] : memref<10112xi32, #tpu.memory_space<vmem>> -> memref<128xi32, #tpu.memory_space<vmem>>
          %dma_start3A_194 = arith.constant 0 : i32
          %dma_start3A_195 = arith.constant 0 : i32
          %dma_start3A_196 = tpu.memref_slice %arg2[%dma_start3A_194, %dma_start3A_195] : memref<10000x256xf32, #tpu.memory_space<hbm>> -> memref<10000x256xf32, #tpu.memory_space<hbm>>
          tpu.enqueue_indirect_dma source(%dma_start3A_196 : memref<10000x256xf32, #tpu.memory_space<hbm>>) target(%dma_start3A_192 : memref<128x256xf32, #tpu.memory_space<vmem>>) offsets(%dma_start3A_193 : memref<128xi32, #tpu.memory_space<vmem>>) semaphore(%arg9 : memref<!tpu.dma_semaphore, #tpu.memory_space<semaphore_mem>>)
        } else {
        }
        %eq3A_181 = arith.constant 1 : i32
        %eq3A_182 = arith.cmpi eq, %select_n3A_175, %eq3A_181 : i32
        %convert_element_type3A_183 = arith.extui %eq3A_182 : i1 to i32
        %cond3A_184 = arith.constant 0 : i32
        %cond3A_185 = arith.cmpi ne, %convert_element_type3A_183, %cond3A_184 : i32
        scf.if %cond3A_185 {
          %mul3A_186 = arith.constant 2 : i32
          %mul3A_187 = arith.muli %add3A_162, %mul3A_186 : i32
          %mul3A_188 = arith.constant 64 : i32
          %mul3A_189 = arith.muli %mul3A_187, %mul3A_188 : i32
          %dma_start3A_190 = arith.constant 128 : i32
          %dma_start3A_191 = arith.constant 0 : i32
          %dma_start3A_192 = tpu.memref_slice %arg6[%dma_start3A_190, %dma_start3A_191] : memref<256x256xf32, #tpu.memory_space<vmem>> -> memref<128x256xf32, #tpu.memory_space<vmem>>
          %dma_start3A_193 = tpu.memref_slice %arg5[%mul3A_189] : memref<10112xi32, #tpu.memory_space<vmem>> -> memref<128xi32, #tpu.memory_space<vmem>>
          %dma_start3A_194 = arith.constant 0 : i32
          %dma_start3A_195 = arith.constant 0 : i32
          %dma_start3A_196 = tpu.memref_slice %arg2[%dma_start3A_194, %dma_start3A_195] : memref<10000x256xf32, #tpu.memory_space<hbm>> -> memref<10000x256xf32, #tpu.memory_space<hbm>>
          tpu.enqueue_indirect_dma source(%dma_start3A_196 : memref<10000x256xf32, #tpu.memory_space<hbm>>) target(%dma_start3A_192 : memref<128x256xf32, #tpu.memory_space<vmem>>) offsets(%dma_start3A_193 : memref<128xi32, #tpu.memory_space<vmem>>) semaphore(%arg10 : memref<!tpu.dma_semaphore, #tpu.memory_space<semaphore_mem>>)
        } else {
        }
      } else {
      }
      %lt3A_156 = arith.cmpi slt, %scan3A_150, %select_n3A : i32
      %convert_element_type3A_157 = arith.extui %lt3A_156 : i1 to i32
      %cond3A_158 = arith.constant 0 : i32
      %cond3A_159 = arith.cmpi ne, %convert_element_type3A_157, %cond3A_158 : i32
      scf.if %cond3A_159 {
        %jit3A_161 = arith.constant 2 : i32
        %eq3A_162 = arith.constant 0 : i32
        %eq3A_163 = arith.cmpi eq, %jit3A_161, %eq3A_162 : i32
        %jit3A_164 = arith.constant 1 : i32
        %select_n3A_165 = arith.select %eq3A_163, %jit3A_164, %jit3A_161 : i32
        %rem3A = arith.remsi %scan3A_150, %select_n3A_165 : i32
        %ne3A = arith.constant 0 : i32
        %ne3A_166 = arith.cmpi ne, %rem3A, %ne3A : i32
        %lt3A_167 = arith.constant 0 : i32
        %lt3A_168 = arith.cmpi slt, %rem3A, %lt3A_167 : i32
        %lt3A_169 = arith.constant 0 : i32
        %lt3A_170 = arith.cmpi slt, %select_n3A_165, %lt3A_169 : i32
        %ne3A_171 = arith.xori %lt3A_168, %lt3A_170 : i1
        %and3A = arith.andi %ne3A_171, %ne3A_166 : i1
        %add3A_172 = arith.addi %rem3A, %select_n3A_165 : i32
        %select_n3A_173 = arith.select %and3A, %add3A_172, %rem3A : i32
        %eq3A_174 = arith.constant 0 : i32
        %eq3A_175 = arith.cmpi eq, %select_n3A_173, %eq3A_174 : i32
        %convert_element_type3A_176 = arith.extui %eq3A_175 : i1 to i32
        %cond3A_177 = arith.constant 0 : i32
        %cond3A_178 = arith.cmpi ne, %convert_element_type3A_176, %cond3A_177 : i32
        scf.if %cond3A_178 {
          %mul3A_214 = arith.constant 2 : i32
          %mul3A_215 = arith.muli %scan3A_150, %mul3A_214 : i32
          %mul3A_216 = arith.constant 64 : i32
          %mul3A_217 = arith.muli %mul3A_215, %mul3A_216 : i32
          %dma_wait3A = arith.constant 0 : i32
          %dma_wait3A_218 = arith.constant 0 : i32
          %dma_wait3A_219 = tpu.memref_slice %arg6[%dma_wait3A, %dma_wait3A_218] : memref<256x256xf32, #tpu.memory_space<vmem>> -> memref<128x256xf32, #tpu.memory_space<vmem>>
          %dma_wait3A_220 = tpu.memref_slice %arg5[%mul3A_217] : memref<10112xi32, #tpu.memory_space<vmem>> -> memref<128xi32, #tpu.memory_space<vmem>>
          %dma_wait3A_221 = arith.constant 0 : i32
          %dma_wait3A_222 = arith.constant 0 : i32
          %dma_wait3A_223 = tpu.memref_slice %arg2[%dma_wait3A_221, %dma_wait3A_222] : memref<10000x256xf32, #tpu.memory_space<hbm>> -> memref<10000x256xf32, #tpu.memory_space<hbm>>
          tpu.wait_indirect_dma semaphore(%arg9 : memref<!tpu.dma_semaphore, #tpu.memory_space<semaphore_mem>>) src(%dma_wait3A_223 : memref<10000x256xf32, #tpu.memory_space<hbm>>) dst(%dma_wait3A_219 : memref<128x256xf32, #tpu.memory_space<vmem>>)
        } else {
        }
        %eq3A_179 = arith.constant 1 : i32
        %eq3A_180 = arith.cmpi eq, %select_n3A_173, %eq3A_179 : i32
        %convert_element_type3A_181 = arith.extui %eq3A_180 : i1 to i32
        %cond3A_182 = arith.constant 0 : i32
        %cond3A_183 = arith.cmpi ne, %convert_element_type3A_181, %cond3A_182 : i32
        scf.if %cond3A_183 {
          %mul3A_214 = arith.constant 2 : i32
          %mul3A_215 = arith.muli %scan3A_150, %mul3A_214 : i32
          %mul3A_216 = arith.constant 64 : i32
          %mul3A_217 = arith.muli %mul3A_215, %mul3A_216 : i32
          %dma_wait3A = arith.constant 128 : i32
          %dma_wait3A_218 = arith.constant 0 : i32
          %dma_wait3A_219 = tpu.memref_slice %arg6[%dma_wait3A, %dma_wait3A_218] : memref<256x256xf32, #tpu.memory_space<vmem>> -> memref<128x256xf32, #tpu.memory_space<vmem>>
          %dma_wait3A_220 = tpu.memref_slice %arg5[%mul3A_217] : memref<10112xi32, #tpu.memory_space<vmem>> -> memref<128xi32, #tpu.memory_space<vmem>>
          %dma_wait3A_221 = arith.constant 0 : i32
          %dma_wait3A_222 = arith.constant 0 : i32
          %dma_wait3A_223 = tpu.memref_slice %arg2[%dma_wait3A_221, %dma_wait3A_222] : memref<10000x256xf32, #tpu.memory_space<hbm>> -> memref<10000x256xf32, #tpu.memory_space<hbm>>
          tpu.wait_indirect_dma semaphore(%arg10 : memref<!tpu.dma_semaphore, #tpu.memory_space<semaphore_mem>>) src(%dma_wait3A_223 : memref<10000x256xf32, #tpu.memory_space<hbm>>) dst(%dma_wait3A_219 : memref<128x256xf32, #tpu.memory_space<vmem>>)
        } else {
        }
        %jit3A_184 = arith.constant 2 : i32
        %eq3A_185 = arith.constant 0 : i32
        %eq3A_186 = arith.cmpi eq, %jit3A_184, %eq3A_185 : i32
        %jit3A_187 = arith.constant 1 : i32
        %select_n3A_188 = arith.select %eq3A_186, %jit3A_187, %jit3A_184 : i32
        %rem3A_189 = arith.remsi %scan3A_150, %select_n3A_188 : i32
        %ne3A_190 = arith.constant 0 : i32
        %ne3A_191 = arith.cmpi ne, %rem3A_189, %ne3A_190 : i32
        %lt3A_192 = arith.constant 0 : i32
        %lt3A_193 = arith.cmpi slt, %rem3A_189, %lt3A_192 : i32
        %lt3A_194 = arith.constant 0 : i32
        %lt3A_195 = arith.cmpi slt, %select_n3A_188, %lt3A_194 : i32
        %ne3A_196 = arith.xori %lt3A_193, %lt3A_195 : i1
        %and3A_197 = arith.andi %ne3A_196, %ne3A_191 : i1
        %add3A_198 = arith.addi %rem3A_189, %select_n3A_188 : i32
        %select_n3A_199 = arith.select %and3A_197, %add3A_198, %rem3A_189 : i32
        %mul3A_200 = arith.constant 2 : i32
        %mul3A_201 = arith.muli %select_n3A_199, %mul3A_200 : i32
        %mul3A_202 = arith.constant 64 : i32
        %mul3A_203 = arith.muli %mul3A_201, %mul3A_202 : i32
        %scan3A_204 = arith.constant 0 : i32
        %scan3A_205 = arith.constant 0 : i32
        %scan3A_206 = arith.constant 4 : i32
        %scan3A_207 = arith.addi %scan3A_205, %scan3A_206 : i32
        %scan3A_208 = arith.constant 1 : i32
        %scan3A_209 = scf.for %scan3A_214 = %scan3A_205 to %scan3A_207 step %scan3A_208 iter_args(%scan3A_215 = %scan3A_204) -> (i32)  : i32 {
          %broadcast_in_dim3A_216 = arith.constant 0.000000e+00 : f32
          %broadcast_in_dim3A_217 = vector.broadcast %broadcast_in_dim3A_216 : f32 to vector<16xf32>
          %scan3A_218 = arith.constant 0 : i32
          %scan3A_219 = arith.constant 16 : i32
          %scan3A_220 = arith.addi %scan3A_218, %scan3A_219 : i32
          %scan3A_221 = arith.constant 1 : i32
          %scan3A_222 = scf.for %scan3A_237 = %scan3A_218 to %scan3A_220 step %scan3A_221 iter_args(%scan3A_238 = %broadcast_in_dim3A_217) -> (vector<16xf32>)  : i32 {
            %mul3A_239 = arith.constant 16 : i32
            %mul3A_240 = arith.muli %scan3A_214, %mul3A_239 : i32
            %add3A_241 = arith.addi %mul3A_203, %mul3A_240 : i32
            %add3A_242 = arith.addi %add3A_241, %scan3A_237 : i32
            %add3A_243 = arith.constant 64 : i32
            %add3A_244 = arith.addi %add3A_242, %add3A_243 : i32
            %get3A = arith.index_cast %add3A_242 : i32 to index
            %get3A_245 = arith.constant 0 : index
            %get3A_246 = tpu.vector_load %arg6[%get3A, %get3A_245] {strides = array<i32>} : memref<256x256xf32, #tpu.memory_space<vmem>>, vector<1x16xf32>,
            %get3A_247 = vector.shape_cast %get3A_246 : vector<1x16xf32> to vector<16xf32>
            %get3A_248 = arith.index_cast %add3A_244 : i32 to index
            %get3A_249 = arith.constant 0 : index
            %get3A_250 = tpu.vector_load %arg6[%get3A_248, %get3A_249] {strides = array<i32>} : memref<256x256xf32, #tpu.memory_space<vmem>>, vector<1x16xf32>,
            %get3A_251 = vector.shape_cast %get3A_250 : vector<1x16xf32> to vector<16xf32>
            %mul3A_252 = arith.mulf %get3A_247, %get3A_251 : vector<16xf32>
            %get3A_253 = arith.index_cast %add3A_242 : i32 to index
            %get3A_254 = arith.constant 16 : index
            %get3A_255 = tpu.vector_load %arg6[%get3A_253, %get3A_254] {strides = array<i32>} : memref<256x256xf32, #tpu.memory_space<vmem>>, vector<1x16xf32>,
            %get3A_256 = vector.shape_cast %get3A_255 : vector<1x16xf32> to vector<16xf32>
            %get3A_257 = arith.index_cast %add3A_244 : i32 to index
            %get3A_258 = arith.constant 16 : index
            %get3A_259 = tpu.vector_load %arg6[%get3A_257, %get3A_258] {strides = array<i32>} : memref<256x256xf32, #tpu.memory_space<vmem>>, vector<1x16xf32>,
            %get3A_260 = vector.shape_cast %get3A_259 : vector<1x16xf32> to vector<16xf32>
            %mul3A_261 = arith.mulf %get3A_256, %get3A_260 : vector<16xf32>
            %add3A_262 = arith.addf %mul3A_252, %mul3A_261 : vector<16xf32>
            %get3A_263 = arith.index_cast %add3A_242 : i32 to index
            %get3A_264 = arith.constant 32 : index
            %get3A_265 = tpu.vector_load %arg6[%get3A_263, %get3A_264] {strides = array<i32>} : memref<256x256xf32, #tpu.memory_space<vmem>>, vector<1x16xf32>,
            %get3A_266 = vector.shape_cast %get3A_265 : vector<1x16xf32> to vector<16xf32>
            %get3A_267 = arith.index_cast %add3A_244 : i32 to index
            %get3A_268 = arith.constant 32 : index
            %get3A_269 = tpu.vector_load %arg6[%get3A_267, %get3A_268] {strides = array<i32>} : memref<256x256xf32, #tpu.memory_space<vmem>>, vector<1x16xf32>,
            %get3A_270 = vector.shape_cast %get3A_269 : vector<1x16xf32> to vector<16xf32>
            %mul3A_271 = arith.mulf %get3A_266, %get3A_270 : vector<16xf32>
            %add3A_272 = arith.addf %add3A_262, %mul3A_271 : vector<16xf32>
            %get3A_273 = arith.index_cast %add3A_242 : i32 to index
            %get3A_274 = arith.constant 48 : index
            %get3A_275 = tpu.vector_load %arg6[%get3A_273, %get3A_274] {strides = array<i32>} : memref<256x256xf32, #tpu.memory_space<vmem>>, vector<1x16xf32>,
            %get3A_276 = vector.shape_cast %get3A_275 : vector<1x16xf32> to vector<16xf32>
            %get3A_277 = arith.index_cast %add3A_244 : i32 to index
            %get3A_278 = arith.constant 48 : index
            %get3A_279 = tpu.vector_load %arg6[%get3A_277, %get3A_278] {strides = array<i32>} : memref<256x256xf32, #tpu.memory_space<vmem>>, vector<1x16xf32>,
            %get3A_280 = vector.shape_cast %get3A_279 : vector<1x16xf32> to vector<16xf32>
            %mul3A_281 = arith.mulf %get3A_276, %get3A_280 : vector<16xf32>
            %add3A_282 = arith.addf %add3A_272, %mul3A_281 : vector<16xf32>
            %get3A_283 = arith.index_cast %add3A_242 : i32 to index
            %get3A_284 = arith.constant 64 : index
            %get3A_285 = tpu.vector_load %arg6[%get3A_283, %get3A_284] {strides = array<i32>} : memref<256x256xf32, #tpu.memory_space<vmem>>, vector<1x16xf32>,
            %get3A_286 = vector.shape_cast %get3A_285 : vector<1x16xf32> to vector<16xf32>
            %get3A_287 = arith.index_cast %add3A_244 : i32 to index
            %get3A_288 = arith.constant 64 : index
            %get3A_289 = tpu.vector_load %arg6[%get3A_287, %get3A_288] {strides = array<i32>} : memref<256x256xf32, #tpu.memory_space<vmem>>, vector<1x16xf32>,
            %get3A_290 = vector.shape_cast %get3A_289 : vector<1x16xf32> to vector<16xf32>
            %mul3A_291 = arith.mulf %get3A_286, %get3A_290 : vector<16xf32>
            %add3A_292 = arith.addf %add3A_282, %mul3A_291 : vector<16xf32>
            %get3A_293 = arith.index_cast %add3A_242 : i32 to index
            %get3A_294 = arith.constant 80 : index
            %get3A_295 = tpu.vector_load %arg6[%get3A_293, %get3A_294] {strides = array<i32>} : memref<256x256xf32, #tpu.memory_space<vmem>>, vector<1x16xf32>,
            %get3A_296 = vector.shape_cast %get3A_295 : vector<1x16xf32> to vector<16xf32>
            %get3A_297 = arith.index_cast %add3A_244 : i32 to index
            %get3A_298 = arith.constant 80 : index
            %get3A_299 = tpu.vector_load %arg6[%get3A_297, %get3A_298] {strides = array<i32>} : memref<256x256xf32, #tpu.memory_space<vmem>>, vector<1x16xf32>,
            %get3A_300 = vector.shape_cast %get3A_299 : vector<1x16xf32> to vector<16xf32>
            %mul3A_301 = arith.mulf %get3A_296, %get3A_300 : vector<16xf32>
            %add3A_302 = arith.addf %add3A_292, %mul3A_301 : vector<16xf32>
            %get3A_303 = arith.index_cast %add3A_242 : i32 to index
            %get3A_304 = arith.constant 96 : index
            %get3A_305 = tpu.vector_load %arg6[%get3A_303, %get3A_304] {strides = array<i32>} : memref<256x256xf32, #tpu.memory_space<vmem>>, vector<1x16xf32>,
            %get3A_306 = vector.shape_cast %get3A_305 : vector<1x16xf32> to vector<16xf32>
            %get3A_307 = arith.index_cast %add3A_244 : i32 to index
            %get3A_308 = arith.constant 96 : index
            %get3A_309 = tpu.vector_load %arg6[%get3A_307, %get3A_308] {strides = array<i32>} : memref<256x256xf32, #tpu.memory_space<vmem>>, vector<1x16xf32>,
            %get3A_310 = vector.shape_cast %get3A_309 : vector<1x16xf32> to vector<16xf32>
            %mul3A_311 = arith.mulf %get3A_306, %get3A_310 : vector<16xf32>
            %add3A_312 = arith.addf %add3A_302, %mul3A_311 : vector<16xf32>
            %get3A_313 = arith.index_cast %add3A_242 : i32 to index
            %get3A_314 = arith.constant 112 : index
            %get3A_315 = tpu.vector_load %arg6[%get3A_313, %get3A_314] {strides = array<i32>} : memref<256x256xf32, #tpu.memory_space<vmem>>, vector<1x16xf32>,
            %get3A_316 = vector.shape_cast %get3A_315 : vector<1x16xf32> to vector<16xf32>
            %get3A_317 = arith.index_cast %add3A_244 : i32 to index
            %get3A_318 = arith.constant 112 : index
            %get3A_319 = tpu.vector_load %arg6[%get3A_317, %get3A_318] {strides = array<i32>} : memref<256x256xf32, #tpu.memory_space<vmem>>, vector<1x16xf32>,
            %get3A_320 = vector.shape_cast %get3A_319 : vector<1x16xf32> to vector<16xf32>
            %mul3A_321 = arith.mulf %get3A_316, %get3A_320 : vector<16xf32>
            %add3A_322 = arith.addf %add3A_312, %mul3A_321 : vector<16xf32>
            %get3A_323 = arith.index_cast %add3A_242 : i32 to index
            %get3A_324 = arith.constant 128 : index
            %get3A_325 = tpu.vector_load %arg6[%get3A_323, %get3A_324] {strides = array<i32>} : memref<256x256xf32, #tpu.memory_space<vmem>>, vector<1x16xf32>,
            %get3A_326 = vector.shape_cast %get3A_325 : vector<1x16xf32> to vector<16xf32>
            %get3A_327 = arith.index_cast %add3A_244 : i32 to index
            %get3A_328 = arith.constant 128 : index
            %get3A_329 = tpu.vector_load %arg6[%get3A_327, %get3A_328] {strides = array<i32>} : memref<256x256xf32, #tpu.memory_space<vmem>>, vector<1x16xf32>,
            %get3A_330 = vector.shape_cast %get3A_329 : vector<1x16xf32> to vector<16xf32>
            %mul3A_331 = arith.mulf %get3A_326, %get3A_330 : vector<16xf32>
            %add3A_332 = arith.addf %add3A_322, %mul3A_331 : vector<16xf32>
            %get3A_333 = arith.index_cast %add3A_242 : i32 to index
            %get3A_334 = arith.constant 144 : index
            %get3A_335 = tpu.vector_load %arg6[%get3A_333, %get3A_334] {strides = array<i32>} : memref<256x256xf32, #tpu.memory_space<vmem>>, vector<1x16xf32>,
            %get3A_336 = vector.shape_cast %get3A_335 : vector<1x16xf32> to vector<16xf32>
            %get3A_337 = arith.index_cast %add3A_244 : i32 to index
            %get3A_338 = arith.constant 144 : index
            %get3A_339 = tpu.vector_load %arg6[%get3A_337, %get3A_338] {strides = array<i32>} : memref<256x256xf32, #tpu.memory_space<vmem>>, vector<1x16xf32>,
            %get3A_340 = vector.shape_cast %get3A_339 : vector<1x16xf32> to vector<16xf32>
            %mul3A_341 = arith.mulf %get3A_336, %get3A_340 : vector<16xf32>
            %add3A_342 = arith.addf %add3A_332, %mul3A_341 : vector<16xf32>
            %get3A_343 = arith.index_cast %add3A_242 : i32 to index
            %get3A_344 = arith.constant 160 : index
            %get3A_345 = tpu.vector_load %arg6[%get3A_343, %get3A_344] {strides = array<i32>} : memref<256x256xf32, #tpu.memory_space<vmem>>, vector<1x16xf32>,
            %get3A_346 = vector.shape_cast %get3A_345 : vector<1x16xf32> to vector<16xf32>
            %get3A_347 = arith.index_cast %add3A_244 : i32 to index
            %get3A_348 = arith.constant 160 : index
            %get3A_349 = tpu.vector_load %arg6[%get3A_347, %get3A_348] {strides = array<i32>} : memref<256x256xf32, #tpu.memory_space<vmem>>, vector<1x16xf32>,
            %get3A_350 = vector.shape_cast %get3A_349 : vector<1x16xf32> to vector<16xf32>
            %mul3A_351 = arith.mulf %get3A_346, %get3A_350 : vector<16xf32>
            %add3A_352 = arith.addf %add3A_342, %mul3A_351 : vector<16xf32>
            %get3A_353 = arith.index_cast %add3A_242 : i32 to index
            %get3A_354 = arith.constant 176 : index
            %get3A_355 = tpu.vector_load %arg6[%get3A_353, %get3A_354] {strides = array<i32>} : memref<256x256xf32, #tpu.memory_space<vmem>>, vector<1x16xf32>,
            %get3A_356 = vector.shape_cast %get3A_355 : vector<1x16xf32> to vector<16xf32>
            %get3A_357 = arith.index_cast %add3A_244 : i32 to index
            %get3A_358 = arith.constant 176 : index
            %get3A_359 = tpu.vector_load %arg6[%get3A_357, %get3A_358] {strides = array<i32>} : memref<256x256xf32, #tpu.memory_space<vmem>>, vector<1x16xf32>,
            %get3A_360 = vector.shape_cast %get3A_359 : vector<1x16xf32> to vector<16xf32>
            %mul3A_361 = arith.mulf %get3A_356, %get3A_360 : vector<16xf32>
            %add3A_362 = arith.addf %add3A_352, %mul3A_361 : vector<16xf32>
            %get3A_363 = arith.index_cast %add3A_242 : i32 to index
            %get3A_364 = arith.constant 192 : index
            %get3A_365 = tpu.vector_load %arg6[%get3A_363, %get3A_364] {strides = array<i32>} : memref<256x256xf32, #tpu.memory_space<vmem>>, vector<1x16xf32>,
            %get3A_366 = vector.shape_cast %get3A_365 : vector<1x16xf32> to vector<16xf32>
            %get3A_367 = arith.index_cast %add3A_244 : i32 to index
            %get3A_368 = arith.constant 192 : index
            %get3A_369 = tpu.vector_load %arg6[%get3A_367, %get3A_368] {strides = array<i32>} : memref<256x256xf32, #tpu.memory_space<vmem>>, vector<1x16xf32>,
            %get3A_370 = vector.shape_cast %get3A_369 : vector<1x16xf32> to vector<16xf32>
            %mul3A_371 = arith.mulf %get3A_366, %get3A_370 : vector<16xf32>
            %add3A_372 = arith.addf %add3A_362, %mul3A_371 : vector<16xf32>
            %get3A_373 = arith.index_cast %add3A_242 : i32 to index
            %get3A_374 = arith.constant 208 : index
            %get3A_375 = tpu.vector_load %arg6[%get3A_373, %get3A_374] {strides = array<i32>} : memref<256x256xf32, #tpu.memory_space<vmem>>, vector<1x16xf32>,
            %get3A_376 = vector.shape_cast %get3A_375 : vector<1x16xf32> to vector<16xf32>
            %get3A_377 = arith.index_cast %add3A_244 : i32 to index
            %get3A_378 = arith.constant 208 : index
            %get3A_379 = tpu.vector_load %arg6[%get3A_377, %get3A_378] {strides = array<i32>} : memref<256x256xf32, #tpu.memory_space<vmem>>, vector<1x16xf32>,
            %get3A_380 = vector.shape_cast %get3A_379 : vector<1x16xf32> to vector<16xf32>
            %mul3A_381 = arith.mulf %get3A_376, %get3A_380 : vector<16xf32>
            %add3A_382 = arith.addf %add3A_372, %mul3A_381 : vector<16xf32>
            %get3A_383 = arith.index_cast %add3A_242 : i32 to index
            %get3A_384 = arith.constant 224 : index
            %get3A_385 = tpu.vector_load %arg6[%get3A_383, %get3A_384] {strides = array<i32>} : memref<256x256xf32, #tpu.memory_space<vmem>>, vector<1x16xf32>,
            %get3A_386 = vector.shape_cast %get3A_385 : vector<1x16xf32> to vector<16xf32>
            %get3A_387 = arith.index_cast %add3A_244 : i32 to index
            %get3A_388 = arith.constant 224 : index
            %get3A_389 = tpu.vector_load %arg6[%get3A_387, %get3A_388] {strides = array<i32>} : memref<256x256xf32, #tpu.memory_space<vmem>>, vector<1x16xf32>,
            %get3A_390 = vector.shape_cast %get3A_389 : vector<1x16xf32> to vector<16xf32>
            %mul3A_391 = arith.mulf %get3A_386, %get3A_390 : vector<16xf32>
            %add3A_392 = arith.addf %add3A_382, %mul3A_391 : vector<16xf32>
            %get3A_393 = arith.index_cast %add3A_242 : i32 to index
            %get3A_394 = arith.constant 240 : index
            %get3A_395 = tpu.vector_load %arg6[%get3A_393, %get3A_394] {strides = array<i32>} : memref<256x256xf32, #tpu.memory_space<vmem>>, vector<1x16xf32>,
            %get3A_396 = vector.shape_cast %get3A_395 : vector<1x16xf32> to vector<16xf32>
            %get3A_397 = arith.index_cast %add3A_244 : i32 to index
            %get3A_398 = arith.constant 240 : index
            %get3A_399 = tpu.vector_load %arg6[%get3A_397, %get3A_398] {strides = array<i32>} : memref<256x256xf32, #tpu.memory_space<vmem>>, vector<1x16xf32>,
            %get3A_400 = vector.shape_cast %get3A_399 : vector<1x16xf32> to vector<16xf32>
            %mul3A_401 = arith.mulf %get3A_396, %get3A_400 : vector<16xf32>
            %add3A_402 = arith.addf %add3A_392, %mul3A_401 : vector<16xf32>
            %mul3A_403 = arith.constant 32 : i32
            %mul3A_404 = arith.muli %scan3A_237, %mul3A_403 : i32
            %swap3A_405 = arith.index_cast %mul3A_404 : i32 to index
            %swap3A_406 = tpu.vector_load %arg7[%swap3A_405] {strides = array<i32>} : memref<528xf32, #tpu.memory_space<vmem>>, vector<16xf32>,
            %swap3A_407 = vector.shape_cast %swap3A_406 : vector<16xf32> to vector<16xf32>
            %swap3A_408 = vector.shape_cast %add3A_402 : vector<16xf32> to vector<16xf32>
            tpu.vector_store %arg7[%swap3A_405], %swap3A_408 {strides = array<i32>} : memref<528xf32, #tpu.memory_space<vmem>>, vector<16xf32>,
            %mul3A_409 = arith.constant 32 : i32
            %mul3A_410 = arith.muli %scan3A_237, %mul3A_409 : i32
            %add3A_411 = arith.constant 8 : i32
            %add3A_412 = arith.addi %mul3A_410, %add3A_411 : i32
            %get3A_413 = arith.index_cast %add3A_412 : i32 to index
            %get3A_414 = tpu.vector_load %arg7[%get3A_413] {strides = array<i32>} : memref<528xf32, #tpu.memory_space<vmem>>, vector<16xf32>,
            %get3A_415 = vector.shape_cast %get3A_414 : vector<16xf32> to vector<16xf32>
            %add3A_416 = arith.addf %add3A_402, %get3A_415 : vector<16xf32>
            %mul3A_417 = arith.constant 32 : i32
            %mul3A_418 = arith.muli %scan3A_237, %mul3A_417 : i32
            %swap3A_419 = arith.index_cast %mul3A_418 : i32 to index
            %swap3A_420 = tpu.vector_load %arg7[%swap3A_419] {strides = array<i32>} : memref<528xf32, #tpu.memory_space<vmem>>, vector<16xf32>,
            %swap3A_421 = vector.shape_cast %swap3A_420 : vector<16xf32> to vector<16xf32>
            %swap3A_422 = vector.shape_cast %add3A_416 : vector<16xf32> to vector<16xf32>
            tpu.vector_store %arg7[%swap3A_419], %swap3A_422 {strides = array<i32>} : memref<528xf32, #tpu.memory_space<vmem>>, vector<16xf32>,
            %mul3A_423 = arith.constant 32 : i32
            %mul3A_424 = arith.muli %scan3A_237, %mul3A_423 : i32
            %add3A_425 = arith.constant 4 : i32
            %add3A_426 = arith.addi %mul3A_424, %add3A_425 : i32
            %get3A_427 = arith.index_cast %add3A_426 : i32 to index
            %get3A_428 = tpu.vector_load %arg7[%get3A_427] {strides = array<i32>} : memref<528xf32, #tpu.memory_space<vmem>>, vector<16xf32>,
            %get3A_429 = vector.shape_cast %get3A_428 : vector<16xf32> to vector<16xf32>
            %add3A_430 = arith.addf %add3A_416, %get3A_429 : vector<16xf32>
            %mul3A_431 = arith.constant 32 : i32
            %mul3A_432 = arith.muli %scan3A_237, %mul3A_431 : i32
            %swap3A_433 = arith.index_cast %mul3A_432 : i32 to index
            %swap3A_434 = tpu.vector_load %arg7[%swap3A_433] {strides = array<i32>} : memref<528xf32, #tpu.memory_space<vmem>>, vector<16xf32>,
            %swap3A_435 = vector.shape_cast %swap3A_434 : vector<16xf32> to vector<16xf32>
            %swap3A_436 = vector.shape_cast %add3A_430 : vector<16xf32> to vector<16xf32>
            tpu.vector_store %arg7[%swap3A_433], %swap3A_436 {strides = array<i32>} : memref<528xf32, #tpu.memory_space<vmem>>, vector<16xf32>,
            %mul3A_437 = arith.constant 32 : i32
            %mul3A_438 = arith.muli %scan3A_237, %mul3A_437 : i32
            %add3A_439 = arith.constant 2 : i32
            %add3A_440 = arith.addi %mul3A_438, %add3A_439 : i32
            %get3A_441 = arith.index_cast %add3A_440 : i32 to index
            %get3A_442 = tpu.vector_load %arg7[%get3A_441] {strides = array<i32>} : memref<528xf32, #tpu.memory_space<vmem>>, vector<16xf32>,
            %get3A_443 = vector.shape_cast %get3A_442 : vector<16xf32> to vector<16xf32>
            %add3A_444 = arith.addf %add3A_430, %get3A_443 : vector<16xf32>
            %mul3A_445 = arith.constant 32 : i32
            %mul3A_446 = arith.muli %scan3A_237, %mul3A_445 : i32
            %swap3A_447 = arith.index_cast %mul3A_446 : i32 to index
            %swap3A_448 = tpu.vector_load %arg7[%swap3A_447] {strides = array<i32>} : memref<528xf32, #tpu.memory_space<vmem>>, vector<16xf32>,
            %swap3A_449 = vector.shape_cast %swap3A_448 : vector<16xf32> to vector<16xf32>
            %swap3A_450 = vector.shape_cast %add3A_444 : vector<16xf32> to vector<16xf32>
            tpu.vector_store %arg7[%swap3A_447], %swap3A_450 {strides = array<i32>} : memref<528xf32, #tpu.memory_space<vmem>>, vector<16xf32>,
            %eq3A_451 = vector.broadcast %scan3A_237 : i32 to vector<16xi32>
            %eq3A_452 = arith.cmpi eq, %iota3A, %eq3A_451 : vector<16xi32>
            %mul3A_453 = arith.constant 31 : i32
            %mul3A_454 = arith.muli %mul3A_453, %scan3A_237 : i32
            %get3A_455 = arith.index_cast %mul3A_454 : i32 to index
            %get3A_456 = tpu.vector_load %arg7[%get3A_455] {strides = array<i32>} : memref<528xf32, #tpu.memory_space<vmem>>, vector<16xf32>,
            %get3A_457 = vector.shape_cast %get3A_456 : vector<16xf32> to vector<16xf32>
            %mul3A_458 = arith.constant 31 : i32
            %mul3A_459 = arith.muli %mul3A_458, %scan3A_237 : i32
            %add3A_460 = arith.constant 1 : i32
            %add3A_461 = arith.addi %mul3A_459, %add3A_460 : i32
            %get3A_462 = arith.index_cast %add3A_461 : i32 to index
            %get3A_463 = tpu.vector_load %arg7[%get3A_462] {strides = array<i32>} : memref<528xf32, #tpu.memory_space<vmem>>, vector<16xf32>,
            %get3A_464 = vector.shape_cast %get3A_463 : vector<16xf32> to vector<16xf32>
            %add3A_465 = arith.addf %get3A_457, %get3A_464 : vector<16xf32>
            %select_n3A_466 = arith.select %eq3A_452, %add3A_465, %scan3A_238 : vector<16xi1>, vector<16xf32>
            scf.yield %select_n3A_466 : vector<16xf32>
          }
          %scan3A_223 = arith.constant 16 : i32
          %neg3A = arith.constant 0.000000e+00 : f32
          %neg3A_224 = vector.broadcast %neg3A : f32 to vector<16xf32>
          %neg3A_225 = arith.subf %neg3A_224, %scan3A_222 : vector<16xf32>
          %exp3A = math.exp %neg3A_225 : vector<16xf32>
          %add3A_226 = arith.constant 1.000000e+00 : f32
          %add3A_227 = vector.broadcast %add3A_226 : f32 to vector<16xf32>
          %add3A_228 = arith.addf %add3A_227, %exp3A : vector<16xf32>
          %div3A = arith.constant 1.000000e+00 : f32
          %div3A_229 = vector.broadcast %div3A : f32 to vector<16xf32>
          %div3A_230 = arith.divf %div3A_229, %add3A_228 : vector<16xf32>
          %mul3A_231 = arith.constant 16 : i32
          %mul3A_232 = arith.muli %scan3A_214, %mul3A_231 : i32
          %swap3A = arith.index_cast %mul3A_232 : i32 to index
          %swap3A_233 = tpu.vector_load %arg8[%swap3A] {strides = array<i32>} : memref<64xf32, #tpu.memory_space<vmem>>, vector<16xf32>,
          %swap3A_234 = vector.shape_cast %swap3A_233 : vector<16xf32> to vector<16xf32>
          %swap3A_235 = vector.shape_cast %div3A_230 : vector<16xf32> to vector<16xf32>
          tpu.vector_store %arg8[%swap3A], %swap3A_235 {strides = array<i32>} : memref<64xf32, #tpu.memory_space<vmem>>, vector<16xf32>,
          %scan3A_236 = arith.constant 0 : i32
          scf.yield %scan3A_236 : i32
        }
        %scan3A_210 = arith.constant 4 : i32
        %mul3A_211 = arith.constant 64 : i32
        %mul3A_212 = arith.muli %scan3A_150, %mul3A_211 : i32
        %add3A_213 = arith.addi %mul3A_8, %mul3A_212 : i32
        "tpu.region"() ({
          %run_scoped3A = tpu.sem_alloc : memref<!tpu.dma_semaphore, #tpu.memory_space<semaphore_mem>>
          %dma_start3A_214 = tpu.memref_slice %arg4[%add3A_213] : memref<160000xf32, #tpu.memory_space<hbm>> -> memref<64xf32, #tpu.memory_space<hbm>>
          %dma_start3A_215 = tpu.memref_slice %arg4[%add3A_213] : memref<160000xf32, #tpu.memory_space<hbm>> -> memref<64xf32, #tpu.memory_space<hbm>>
          tpu.enqueue_dma source(%arg8 : memref<64xf32, #tpu.memory_space<vmem>>) target(%dma_start3A_215 : memref<64xf32, #tpu.memory_space<hbm>>) target_semaphore(%run_scoped3A : memref<!tpu.dma_semaphore, #tpu.memory_space<semaphore_mem>>)
          %dma_wait3A = tpu.memref_slice %arg4[%add3A_213] : memref<160000xf32, #tpu.memory_space<hbm>> -> memref<64xf32, #tpu.memory_space<hbm>>
          %dma_wait3A_216 = tpu.memref_slice %arg4[%add3A_213] : memref<160000xf32, #tpu.memory_space<hbm>> -> memref<64xf32, #tpu.memory_space<hbm>>
          tpu.wait_dma2 semaphore(%run_scoped3A : memref<!tpu.dma_semaphore, #tpu.memory_space<semaphore_mem>>) src(%arg8 : memref<64xf32, #tpu.memory_space<vmem>>) dst(%dma_wait3A_216 : memref<64xf32, #tpu.memory_space<hbm>>)
          tpu.yield
        }) : () -> ()
      } else {
      }
      %scan3A_160 = arith.constant 0 : i32
      scf.yield %scan3A_160 : i32
    }
    %scan3A_149 = arith.constant 79 : i32
    return
  }
}

</mosaic_0001>

<sc_bundles>
// kernel: kernel.3.cloned.1.call-start
scs
__scs_entry_jumppad:
0x0: {  	(pc) =	sbr.rel $0x88, $3  }
0x1: {  	(tag) =	ssettag $0x0;
	lr =	simm.s32 $0x1  }
0x2: {  	[smem:$0x3F9F] =	sst lr;
	_ =	strace $0xD0000000  }
0x3: {  	_ = 	snop  }
0x4: {  	_ = 	snop  }
0x5: {  	_ = 	snop  }
0x6: {  	_ = 	snop  }
0x7: {  	_ = 	snop  }
__scs_overlays_trampoline_lowered:
0x8: {  	[smem:$0x3FAE] =	sst s0  }
0x9: {  	[smem:$0x3FAF] =	sst s1  }
0xa: {  	[smem:$0x3FB0] =	sst s2  }
0xb: {  	[smem:$0x3FB1] =	sst s3  }
0xc: {  	[smem:$0x3FB2] =	sst s4  }
0xd: {  	[smem:$0x3FB3] =	sst s5  }
0xe: {  	[smem:$0x3FB4] =	sst s6  }
0xf: {  	[smem:$0x3FB5] =	sst s7  }
0x10: {  	[smem:$0x3FB6] =	sst s8  }
0x11: {  	[smem:$0x3FB7] =	sst s9;
	s0 =	simm.s32 @!p0 $0x0  }
0x12: {  	s1 =	sld [smem:$0x3F9D];
	s0 =	simm.s32 @p0 $0x1  }
0x13: {  	[smem:$0x3FB8] =	sst s0;
	s0 =	simm.s32 @!p1 $0x0  }
0x14: {  	s2 =	sld [smem:$0x3F9C];
	s0 =	simm.s32 @p1 $0x1  }
0x15: {  	[smem:$0x3FB9] =	sst s0;
	s0 =	simm.s32 @!p2 $0x0  }
0x16: {  	s3 =	sld [smem:$0x3FDB];
	s0 =	simm.s32 @p2 $0x1  }
0x17: {  	s4 =	simm.s32 $0x1BF5;
	[smem:$0x3FBB] =	sst s0  }
0x18: {  	s0 =	sld [smem:$0x3F9E];
	_ =	swait.ge [sflag:s4], $0x0  }
0x19: {  	s7 =	sld [smem:$0x3F9F]  }
0x1a: {  	s8 =	sadd.s32 $0xFFFFE003, lr  }
0x1b: {  	s9 =	sadd.s32 $0xFFFFFEF7, lr;
	s5 =	simm.s32 $0xFFFFFFFF;
	p2 =	slt.u32 s8, $0xFFFFF086  }
0x1c: {  	p1 =	slt.u32 s9, $0xF7A;
	s5 =	simm.s32 @!p2 $0x0  }
0x1d: {  	s5 =	simm.s32 @p1 $0x1;
	p0 =	seq.s32 s7, s2  }
0x1e: {  	s7 =	smul.u32 @!p0 $0xF7A, s2;
	p2 =	seq.s32 @!p0 s5, $0x0  }
0x1f: {  	s9 =	smul.u32 $0xF7A, s1;
	s8 =	simm.s32 @!p0 $0x1BF5;
	p2 =	por !p2, p0  }
0x20: {  	[sflag:s8] =	ssyncset.s32 @!p0 $0xFFFFF086;
	s6 =	sadd.s32 @!p0 s3, s7;
	s7 =	simm.s32 @!p0 $0x108  }
0x21: {  	s3 =	sadd.s32 s3, s9;
	s6 =	sadd.s32 @!p0 $0x88, s6;
	s7 =	simm.s32 @p2 $0x1082  }
0x22: {  	[simem:s7], [sflag:s8] =	dma.local @!p0 [hbm:s6], $0xF7A  }
0x23: {  	s9 =	sor.u32 $0xD0000000, s2;
	s6 =	simm.s32 $0x108;
	_ =	swait.ge @!p0 [sflag:s8], $0x0  }
0x24: {  	s3 =	sadd.s32 $0x88, s3;
	s6 =	simm.s32 @!p1 $0x1082;
	[sflag:s4] =	ssyncset.s32 $0xFFFFF086  }
0x25: {  	[simem:s6], [sflag:s4] =	dma.local [hbm:s3], $0xF7A  }
0x26: {  	[smem:$0x3F9F] =	sst s1;
	(tag) =	ssettag s2;
	_ =	strace s9  }
0x27: {  	s1 =	sld [smem:$0x3FAF]  }
0x28: {  	s2 =	sld [smem:$0x3FB0]  }
0x29: {  	s4 =	sld [smem:$0x3FB2]  }
0x2a: {  	p0 =	seq.s32 s5, $0x0;
	s5 =	sld [smem:$0x3FB3]  }
0x2b: {  	s6 =	sld [smem:$0x3FB4]  }
0x2c: {  	s7 =	sld [smem:$0x3FB5]  }
0x2d: {  	s3 =	simm.s32 $0x108;
	s8 =	sld [smem:$0x3FB6]  }
0x2e: {  	s3 =	simm.s32 @!p0 $0x1082;
	s9 =	sld [smem:$0x3FB7]  }
0x2f: {  	lr =	sadd.s32 s0, s3;
	s0 =	sld [smem:$0x3FAE]  }
0x30: {  	s3 =	sld [smem:$0x3FB1]  }
0x31: {  	[smem:$0x3FBA] =	sst s10  }
0x32: {  	s10 =	sld [smem:$0x3FB8];
	_ =	sdelay $0x3  }
0x33: {  	p0 =	seq.s32 s10, $0x1;
	s10 =	sld [smem:$0x3FBA];
	_ =	sdelay $0x3  }
0x34: {  	[smem:$0x3FBA] =	sst s10  }
0x35: {  	s10 =	sld [smem:$0x3FB9];
	_ =	sdelay $0x3  }
0x36: {  	p1 =	seq.s32 s10, $0x1;
	s10 =	sld [smem:$0x3FBA];
	_ =	sdelay $0x3  }
0x37: {  	[smem:$0x3FBA] =	sst s10  }
0x38: {  	s10 =	sld [smem:$0x3FBB]  }
0x39: {  	_ = 	snop;
	(pc) =	sbr.ind lr, $3  }
0x3a: {  	_ = 	snop  }
0x3b: {  	_ = 	snop  }
0x3c: {  	p2 =	seq.s32 s10, $0x1;
	s10 =	sld [smem:$0x3FBA]  }
0x3d: {  	_ =	shalt  }
0x3e: {  	_ =	shalt  }
0x3f: {  	_ =	shalt  }
0x40: {  	_ =	shalt  }
0x41: {  	_ =	shalt  }
0x42: {  	_ =	shalt  }
0x43: {  	_ =	shalt  }
0x44: {  	_ =	shalt  }
0x45: {  	_ =	shalt  }
0x46: {  	_ =	shalt  }
0x47: {  	_ =	shalt  }
0x48: {  	_ =	shalt  }
0x49: {  	_ =	shalt  }
0x4a: {  	_ =	shalt  }
0x4b: {  	_ =	shalt  }
0x4c: {  	_ =	shalt  }
0x4d: {  	_ =	shalt  }
0x4e: {  	_ =	shalt  }
0x4f: {  	_ =	shalt  }
0x50: {  	_ =	shalt  }
0x51: {  	_ =	shalt  }
0x52: {  	_ =	shalt  }
0x53: {  	_ =	shalt  }
0x54: {  	_ =	shalt  }
0x55: {  	_ =	shalt  }
0x56: {  	_ =	shalt  }
0x57: {  	_ =	shalt  }
0x58: {  	_ =	shalt  }
0x59: {  	_ =	shalt  }
0x5a: {  	_ =	shalt  }
0x5b: {  	_ =	shalt  }
0x5c: {  	_ =	shalt  }
0x5d: {  	_ =	shalt  }
0x5e: {  	_ =	shalt  }
0x5f: {  	_ =	shalt  }
0x60: {  	_ =	shalt  }
0x61: {  	_ =	shalt  }
0x62: {  	_ =	shalt  }
0x63: {  	_ =	shalt  }
0x64: {  	_ =	shalt  }
0x65: {  	_ =	shalt  }
0x66: {  	_ =	shalt  }
0x67: {  	_ =	shalt  }
0x68: {  	_ =	shalt  }
0x69: {  	_ =	shalt  }
0x6a: {  	_ =	shalt  }
0x6b: {  	_ =	shalt  }
0x6c: {  	_ =	shalt  }
0x6d: {  	_ =	shalt  }
0x6e: {  	_ =	shalt  }
0x6f: {  	_ =	shalt  }
0x70: {  	_ =	shalt  }
0x71: {  	_ =	shalt  }
0x72: {  	_ =	shalt  }
0x73: {  	_ =	shalt  }
0x74: {  	_ =	shalt  }
0x75: {  	_ =	shalt  }
0x76: {  	_ =	shalt  }
0x77: {  	_ =	shalt  }
0x78: {  	_ =	shalt  }
0x79: {  	_ =	shalt  }
0x7a: {  	_ =	shalt  }
0x7b: {  	_ =	shalt  }
0x7c: {  	_ =	shalt  }
0x7d: {  	_ =	shalt  }
0x7e: {  	_ =	shalt  }
0x7f: {  	_ =	shalt  }
0x80: {  	_ =	shalt  }
0x81: {  	_ =	shalt  }
0x82: {  	_ =	shalt  }
0x83: {  	_ =	shalt  }
0x84: {  	_ =	shalt  }
0x85: {  	_ =	shalt  }
0x86: {  	_ =	shalt  }
0x87: {  	_ =	shalt  }
.Lfunc_end0:
.L_simem_size_0:
called_computation_lowered:
.L_overlay_start_0:
0x88: {  	s2 =	sld [smem:$0x3FD9]  }
0x89: {  	s3 =	sld [smem:$0x3FFE];
	_ =	sdelay $0x1  }
0x8a: {  	s1 =	srdreg.scid  }
0x8b: {  	s0 =	sand.u32 $0x1, s1  }
0x8c: {  	s17 =	sshll.u32 s0, $0xA;
	s2 =	sadd.s32 s3, s2  }
0x8d: {  	s2 =	sadd.s32 s2, s17  }
0x8e: {  	[smem:$0x3FC6] =	sst s2  }
0x8f: {  	_ = 	snop  }
0x90: {  	s2 =	sld [smem:$0x3FC9]  }
0x91: {  	s18 =	sld [smem:$0x3FD0];
	(tm) =	ssettm $0x1  }
0x92: {  	s4 =	sld [smem:$0x3FFB];
	_ =	sdelay $0x3  }
0x93: {  	_ =	strace s4  }
0x94: {  	s4 =	sld [smem:$0x3FFC];
	_ =	sdelay $0x3  }
0x95: {  	_ =	strace s4  }
0x96: {  	s4 =	sld [smem:$0x3FFD];
	_ =	sdelay $0x3  }
0x97: {  	_ =	strace s4  }
0x98: {  	_ =	strace $0x8FFFFFFF  }
0x99: {  	s19 =	sld [smem:$0x3FDB];
	_ =	sdelay $0x1  }
0x9a: {  	s5 =	simm.s32 $_scs_section_size  }
0x9b: {  	s6 =	simm.s32 $_size__tile_overlayer_lowered;
	s7 =	simm.s32 $_tile_overlayer_lowered  }
0x9c: {  	s22 =	simm.s32 $0x1BFF;
	s21 =	sshll.u32 s7, $0x1;
	s4 =	sadd.s32 s5, s19  }
0x9d: {  	s8 =	simm.s32 $0x0;
	s20 =	sshll.u32 s6, $0x1;
	s6 =	sadd.s32 s21, s4  }
0x9e: {  	[timem:s8], [sflag:s22] =	dma.local [hbm:s6], s20  }
0x9f: {  	_ =	swait.ge [sflag:s22], s20  }
0xa0: {  	s5 =	ssub.s32 $0x0, s20;
	[sflag:s22] =	ssyncset.done $0x0  }
0xa1: {  	[sflag:s22] =	ssyncadd.s32 s5;
	_ =	sdelay $0x1  }
0xa2: {  	s23 =	simm.s32 $0x1B8B  }
0xa3: {  	_ =	swait.ge [sflag:s23], $0x1  }
0xa4: {  	[sflag:s23] =	ssyncset.done $0x0  }
0xa5: {  	s25 =	simm.s32 $0x1B8E;
	s24 =	sld [smem:$0x3FFE];
	[sflag:s23] =	ssyncadd.s32 $0xFFFFFFFF  }
0xa6: {  	s26 =	simm.s32 $execute0_lowered;
	[smem:$0x3FD2] =	sst s25  }
0xa7: {  	s6 =	sshll.u32 s26, $0x1;
	_ =	strace $0x80000046;
	[dreg:$0x1] =	wrdreg $0xFFFFFFFF  }
0xa8: {  	s28 =	simm.s32 $_size_execute0_lowered;
	s4 =	sadd.s32 s4, s6;
	[dreg:$0x0] =	wrdreg $0x0  }
0xa9: {  	s6 =	sshll.u32 s28, $0x1;
	[dreg:$0x2] =	wrdreg s4  }
0xaa: {  	[dreg:$0x3] =	wrdreg s6  }
0xab: {  	[dreg:$0x4] =	wrdreg $0xC0  }
0xac: {  	_ =	task [dreg:s8], $0x5FFFF  }
0xad: {  	[dreg:$0x1] =	wrdreg $0xFFFFFFFF  }
0xae: {  	[dreg:$0x0] =	wrdreg $0x60  }
0xaf: {  	[dreg:$0x2] =	wrdreg s2  }
0xb0: {  	[dreg:$0x3] =	wrdreg s24  }
0xb1: {  	[dreg:$0x4] =	wrdreg s18  }
0xb2: {  	[dreg:$0x5] =	wrdreg $0x9  }
0xb3: {  	_ =	task.clear_ibuf [dreg:s8], $0x6FFFF;
	_ =	strace $0x90000046  }
0xb4: {  	s29 =	simm.s32 $0x9;
	_ =	strace $0x80000048  }
0xb5: {  	_ =	swait.ge [sflag:s29], $0x1  }
0xb6: {  	[sflag:s29] =	ssyncadd.s32 $0xFFFFFFFF  }
0xb7: {  	_ =	strace $0x90000048  }
0xb8: {  	_ =	sfence  }
0xb9: {  	s30 =	sld [smem:$0x0];
	_ =	sdelay $0x2  }
0xba: {  	s31 =	sshll.u32 s1, $0xD;
	s1 =	sshrl.u32 s1, $0x2  }
0xbb: {  	s3 =	sand.u32 $0x4000, s31;
	s1 =	sadd.s32 s1, s30  }
0xbc: {  	s0 =	sor.u32 s3, s0;
	s1 =	sshll.u32 s1, $0x11  }
0xbd: {  	s0 =	sor.u32 s1, s0  }
0xbe: {  	s0 =	sadd.s32 $0x8F2B, s0  }
0xbf: {  	[sflag:s0] =	ssyncadd.remote.s32 $0x1  }
0xc0: {  	_ =	sfence.sel $0xFFFF  }
0xc1: {  	[dreg:$0x0] =	wrdreg $0xFFFFFFFF;
	(pc) =	sbr.abs _section_cstart, $3  }
0xc2: {  	[dreg:$0x1] =	wrdreg $0xFFFFFFFF  }
0xc3: {  	_ =	task.clear_ibuf [dreg:s8], $0x2FFFF;
	_ =	strace $0x9FFFFFFF  }
0xc4: {  	(tm) =	ssettm $0x7FFFFFFF  }
0xc5: {  	_ =	shalt  }
tec
execute0_lowered:
.L_overlay_start_1:
0x0: {  	(tag) =	ssettag $0x1  }
0x1: {  	s1 =	rddreg [dreg:$0x0]  }
0x2: {  	s0 =	srdreg.scid;
	s2 =	rddreg [dreg:$0x1]  }
0x3: {  	s5 =	stileid.u32;
	s3 =	rddreg [dreg:$0x2];
	s9 =	simm.s32 $0x3  }
0x4: {  	s17 =	simm.s32 $0x5F80;
	s18 =	simm.s32 $0x6780;
	s19 =	simm.s32 $0x6F80  }
0x5: {  	s20 =	simm.s32 $0x7780;
	s21 =	simm.s32 $0x7F80;
	s22 =	simm.s32 $0x8780  }
0x6: {  	s23 =	simm.s32 $0x8F80;
	s24 =	simm.s32 $0x9780;
	s0 =	sand.u32 $0x1, s0  }
0x7: {  	s25 =	simm.s32 $0x9F80;
	s30 =	simm.s32 $0x0;
	s4 =	sshll.u32 s0, $0x4  }
0x8: {  	s0 =	ssub.s32 $0x2, s0;
	s6 =	sor.u32 s5, s4;
	s4 =	simm.s32 $0x0  }
0x9: {  	s8 =	sshrl.u32 s0, $0x1;
	s5 =	smul.u32 $0x4E, s6;
	[smem:$0x7FF] =	sst s4  }
.Ltmp0:
0xa: {  	s7 =	smin.u32 s6, $0x4;
	p0 =	slt.u32 s6, $0x4;
	(pc) =	sbr.rel .LBB2_1-.Ltmp0, $4  }
0xb: {  	s6 =	simm.s32 $0x4F;
	s0 =	ssub.s32 s0, s8;
	s5 =	sadd.s32 s7, s5  }
0xc: {  	v0 =	vlaneseq.u32;
	s8 =	simm.s32 $0x0;
	s0 =	smax.u32 s0, $0x1;
	s7 =	sshll.u32 s5, $0x4  }
0xd: {  	vm0 =	vmmov $0xffff;
	v2 =	vshrl.u32 v0, $0x3;
	v1 =	vand.u32 $0x7, v0;
	_ =	strace $0x80000047;
	[dreg:$0x5] =	wrdreg s0;
	s2 =	sadd.s32 s2, s7  }
0xe: {  	v3 =	vor.u32 $0x8, v0;
	v2 =	vmul.u32 $0x8, v2;
	v4 =	vor.u32 $0x8, v1;
	s6 =	simm.s32 @!p0 $0x4E;
	s7 =	simm.s32 $0x12A00;
	[dreg:$0x4] =	wrdreg s2  }
.LBB2_13:
0xf: {  	s8 =	sadd.s32 $0x1, s8;
	s0 =	rddreg [dreg:$0x5]  }
0x10: {  	p0 =	sne.s32 s8, s0  }
.Ltmp1:
0x11: {  	_ = 	snop;
	(pc) =	sbr.rel @!p0 .LBB2_14-.Ltmp1, $1  }
0x12: {  	_ =	sdelay $0x3  }
.LBB2_1:
0x13: {  	s0 =	rddreg [dreg:$0x4]  }
0x14: {  	[tilespmem:s4], [sflag:$0x3] =	stream.linear.gather [hbm4b:s0+s4], $0x2780, $0x38;
	[tilespmem:$0x12A80] =	vst v63  }
0x15: {  	_ =	swait.ge [sflag:s9], $0x2780  }
0x16: {  	[sflag:s9] =	ssyncset.done $0x0  }
0x17: {  	[sflag:s9] =	ssyncadd.s32 $0xFFFFD880  }
0x18: {  	v5 =	vld [tilespmem:$0x0];
	_ =	sdelay $0x4  }
0x19: {  	v6 =	vshll.u32 v5, $0x1  }
0x1a: {  	v5 =	vand.u32 $0x7, v5;
	v6 =	vand.u32 $0xFFFFFFF0, v6  }
0x1b: {  	v5 =	vor.u32 v5, v6  }
0x1c: {  	v6 =	vperm.xlane v5, v1;
	_ =	sdelay $0x1  }
0x1d: {  	v5 =	vperm.xlane v5, v3;
	v6 =	vadd.s32 v2, v6;
	_ =	sdelay $0x1  }
0x1e: {  	v5 =	vadd.s32 v2, v5;
	_ =	sdelay $0x1  }
0x1f: {  	s14 =	simm.s32 $0x2780  }
0x20: {  	[tilespmem:s14], [sflag:$0x1] =	stream.indirect_vreg.gather [hbm4b:s1+s4], $0x80, v6, vm0, $0xb8;
	[tilespmem:$0x12A80] =	vst v63  }
0x21: {  	s15 =	simm.s32 $0x2F80  }
0x22: {  	[tilespmem:s15], [sflag:$0x1] =	stream.indirect_vreg.gather [hbm4b:s1+s4], $0x80, v5, vm0, $0xb8;
	[tilespmem:$0x12A80] =	vst v63  }
0x23: {  	v5 =	vld [tilespmem:$0x10];
	_ =	sdelay $0x4  }
0x24: {  	v6 =	vshll.u32 v5, $0x1  }
0x25: {  	v5 =	vand.u32 $0x7, v5;
	v6 =	vand.u32 $0xFFFFFFF0, v6  }
0x26: {  	v5 =	vor.u32 v5, v6  }
0x27: {  	v6 =	vperm.xlane v5, v1;
	_ =	sdelay $0x1  }
0x28: {  	v5 =	vperm.xlane v5, v3;
	v6 =	vadd.s32 v2, v6;
	_ =	sdelay $0x1  }
0x29: {  	v5 =	vadd.s32 v2, v5;
	_ =	sdelay $0x1  }
0x2a: {  	s16 =	simm.s32 $0x3780  }
0x2b: {  	[tilespmem:s16], [sflag:$0x1] =	stream.indirect_vreg.gather [hbm4b:s1+s4], $0x80, v6, vm0, $0xb8;
	[tilespmem:$0x12A80] =	vst v63  }
0x2c: {  	s26 =	simm.s32 $0x3F80  }
0x2d: {  	[tilespmem:s26], [sflag:$0x1] =	stream.indirect_vreg.gather [hbm4b:s1+s4], $0x80, v5, vm0, $0xb8;
	[tilespmem:$0x12A80] =	vst v63  }
0x2e: {  	v5 =	vld [tilespmem:$0x20];
	_ =	sdelay $0x4  }
0x2f: {  	v6 =	vshll.u32 v5, $0x1  }
0x30: {  	v5 =	vand.u32 $0x7, v5;
	v6 =	vand.u32 $0xFFFFFFF0, v6  }
0x31: {  	v5 =	vor.u32 v5, v6  }
0x32: {  	v6 =	vperm.xlane v5, v1;
	_ =	sdelay $0x1  }
0x33: {  	v5 =	vperm.xlane v5, v3;
	v6 =	vadd.s32 v2, v6;
	_ =	sdelay $0x1  }
0x34: {  	v5 =	vadd.s32 v2, v5;
	_ =	sdelay $0x1  }
0x35: {  	s28 =	simm.s32 $0x4780  }
0x36: {  	[tilespmem:s28], [sflag:$0x1] =	stream.indirect_vreg.gather [hbm4b:s1+s4], $0x80, v6, vm0, $0xb8;
	[tilespmem:$0x12A80] =	vst v63  }
0x37: {  	s29 =	simm.s32 $0x4F80  }
0x38: {  	[tilespmem:s29], [sflag:$0x1] =	stream.indirect_vreg.gather [hbm4b:s1+s4], $0x80, v5, vm0, $0xb8;
	[tilespmem:$0x12A80] =	vst v63  }
0x39: {  	v5 =	vld [tilespmem:$0x30];
	_ =	sdelay $0x4  }
0x3a: {  	v6 =	vshll.u32 v5, $0x1  }
0x3b: {  	v5 =	vand.u32 $0x7, v5;
	v6 =	vand.u32 $0xFFFFFFF0, v6  }
0x3c: {  	v5 =	vor.u32 v5, v6  }
0x3d: {  	v6 =	vperm.xlane v5, v1;
	_ =	sdelay $0x1  }
0x3e: {  	v5 =	vperm.xlane v5, v3;
	v6 =	vadd.s32 v2, v6;
	_ =	sdelay $0x1  }
0x3f: {  	v5 =	vadd.s32 v2, v5;
	_ =	sdelay $0x1  }
0x40: {  	s31 =	simm.s32 $0x5780  }
0x41: {  	[tilespmem:s31], [sflag:$0x1] =	stream.indirect_vreg.gather [hbm4b:s1+s4], $0x80, v6, vm0, $0xb8;
	[tilespmem:$0x12A80] =	vst v63  }
0x42: {  	_ = 	snop  }
0x43: {  	[tilespmem:s17], [sflag:$0x1] =	stream.indirect_vreg.gather [hbm4b:s1+s4], $0x80, v5, vm0, $0xb8;
	[tilespmem:$0x12A80] =	vst v63  }
0x44: {  	v5 =	vld [tilespmem:$0x40];
	_ =	sdelay $0x4  }
0x45: {  	v6 =	vshll.u32 v5, $0x1  }
0x46: {  	v5 =	vand.u32 $0x7, v5;
	v6 =	vand.u32 $0xFFFFFFF0, v6  }
0x47: {  	v5 =	vor.u32 v5, v6  }
0x48: {  	v6 =	vperm.xlane v5, v1;
	_ =	sdelay $0x1  }
0x49: {  	v5 =	vperm.xlane v5, v3;
	v6 =	vadd.s32 v2, v6;
	_ =	sdelay $0x1  }
0x4a: {  	v5 =	vadd.s32 v2, v5;
	_ =	sdelay $0x2  }
0x4b: {  	[tilespmem:s18], [sflag:$0x1] =	stream.indirect_vreg.gather [hbm4b:s1+s4], $0x80, v6, vm0, $0xb8;
	[tilespmem:$0x12A80] =	vst v63  }
0x4c: {  	_ = 	snop  }
0x4d: {  	[tilespmem:s19], [sflag:$0x1] =	stream.indirect_vreg.gather [hbm4b:s1+s4], $0x80, v5, vm0, $0xb8;
	[tilespmem:$0x12A80] =	vst v63  }
0x4e: {  	v5 =	vld [tilespmem:$0x50];
	_ =	sdelay $0x4  }
0x4f: {  	v6 =	vshll.u32 v5, $0x1  }
0x50: {  	v5 =	vand.u32 $0x7, v5;
	v6 =	vand.u32 $0xFFFFFFF0, v6  }
0x51: {  	v5 =	vor.u32 v5, v6  }
0x52: {  	v6 =	vperm.xlane v5, v1;
	_ =	sdelay $0x1  }
0x53: {  	v5 =	vperm.xlane v5, v3;
	v6 =	vadd.s32 v2, v6;
	_ =	sdelay $0x1  }
0x54: {  	v5 =	vadd.s32 v2, v5;
	_ =	sdelay $0x2  }
0x55: {  	[tilespmem:s20], [sflag:$0x1] =	stream.indirect_vreg.gather [hbm4b:s1+s4], $0x80, v6, vm0, $0xb8;
	[tilespmem:$0x12A80] =	vst v63  }
0x56: {  	_ = 	snop  }
0x57: {  	[tilespmem:s21], [sflag:$0x1] =	stream.indirect_vreg.gather [hbm4b:s1+s4], $0x80, v5, vm0, $0xb8;
	[tilespmem:$0x12A80] =	vst v63  }
0x58: {  	v5 =	vld [tilespmem:$0x60];
	_ =	sdelay $0x4  }
0x59: {  	v6 =	vshll.u32 v5, $0x1  }
0x5a: {  	v5 =	vand.u32 $0x7, v5;
	v6 =	vand.u32 $0xFFFFFFF0, v6  }
0x5b: {  	v5 =	vor.u32 v5, v6  }
0x5c: {  	v6 =	vperm.xlane v5, v1;
	_ =	sdelay $0x1  }
0x5d: {  	v5 =	vperm.xlane v5, v3;
	v6 =	vadd.s32 v2, v6;
	_ =	sdelay $0x1  }
0x5e: {  	v5 =	vadd.s32 v2, v5;
	_ =	sdelay $0x2  }
0x5f: {  	[tilespmem:s22], [sflag:$0x1] =	stream.indirect_vreg.gather [hbm4b:s1+s4], $0x80, v6, vm0, $0xb8;
	[tilespmem:$0x12A80] =	vst v63  }
0x60: {  	_ = 	snop  }
0x61: {  	[tilespmem:s23], [sflag:$0x1] =	stream.indirect_vreg.gather [hbm4b:s1+s4], $0x80, v5, vm0, $0xb8;
	[tilespmem:$0x12A80] =	vst v63  }
0x62: {  	v5 =	vld [tilespmem:$0x70];
	_ =	sdelay $0x4  }
0x63: {  	v6 =	vshll.u32 v5, $0x1  }
0x64: {  	v5 =	vand.u32 $0x7, v5;
	v6 =	vand.u32 $0xFFFFFFF0, v6  }
0x65: {  	v5 =	vor.u32 v5, v6  }
0x66: {  	v6 =	vperm.xlane v5, v1;
	_ =	sdelay $0x1  }
0x67: {  	v5 =	vperm.xlane v5, v3;
	v6 =	vadd.s32 v2, v6;
	_ =	sdelay $0x1  }
0x68: {  	v5 =	vadd.s32 v2, v5  }
.Ltmp2:
0x69: {  	_ = 	snop;
	(pc) =	sbr.rel .LBB2_2-.Ltmp2, $4  }
0x6a: {  	_ = 	snop  }
0x6b: {  	[tilespmem:s24], [sflag:$0x1] =	stream.indirect_vreg.gather [hbm4b:s1+s4], $0x80, v6, vm0, $0xb8;
	[tilespmem:$0x12A80] =	vst v63  }
0x6c: {  	p0 =	por $0x0, $0x0;
	s26 =	simm.s32 $0x0  }
0x6d: {  	[tilespmem:s25], [sflag:$0x1] =	stream.indirect_vreg.gather [hbm4b:s1+s4], $0x80, v5, vm0, $0xb8;
	[tilespmem:$0x12A80] =	vst v63  }
.LBB2_12:
0x6e: {  	p1 =	sne.s32 s28, $0x4F  }
.Ltmp3:
0x6f: {  	_ = 	snop;
	(pc) =	sbr.rel @!p1 .LBB2_13-.Ltmp3, $2  }
0x70: {  	_ =	sdelay $0x2  }
0x71: {  	p0 =	por !p0, !p0;
	s26 =	smov.u32 s28  }
.LBB2_2:
0x72: {  	s28 =	sadd.s32 $0x1, s26  }
0x73: {  	p1 =	sge.u32 s28, s6  }
.Ltmp4:
0x74: {  	_ = 	snop;
	(pc) =	sbr.rel @p1 .LBB2_6-.Ltmp4, $1  }
0x75: {  	_ =	sdelay $0x3  }
0x76: {  	s0 =	sshll.u32 s28, $0x7  }
0x77: {  	s0 =	sand.u32 $0x3FFFFF80, s0  }
0x78: {  	v5 =	vld [tilespmem:s0+$0x0];
	_ =	sdelay $0x3  }
0x79: {  	s2 =	sand.u32 $0x1, s28  }
0x7a: {  	p1 =	seq.s32 s2, $0x1;
	v6 =	vshll.u32 v5, $0x1  }
.Ltmp5:
0x7b: {  	v5 =	vand.u32 $0x7, v5;
	v6 =	vand.u32 $0xFFFFFFF0, v6;
	(pc) =	sbr.rel @!p1 .LBB2_4-.Ltmp5, $3  }
0x7c: {  	v5 =	vor.u32 v5, v6  }
0x7d: {  	v6 =	vperm.xlane v5, v1;
	v5 =	vperm.xlane v5, v4;
	_ =	sdelay $0x1  }
0x7e: {  	v6 =	vadd.s32 v2, v6;
	v5 =	vadd.s32 v2, v5  }
0x7f: {  	_ =	sdelay $0x2  }
0x80: {  	s2 =	simm.s32 $0xA780  }
0x81: {  	[tilespmem:s2], [sflag:$0x2] =	stream.indirect_vreg.gather [hbm4b:s1+s4], $0x80, v6, vm0, $0xb8;
	[tilespmem:$0x12A80] =	vst v63  }
0x82: {  	s13 =	simm.s32 $0xAF80  }
0x83: {  	[tilespmem:s13], [sflag:$0x2] =	stream.indirect_vreg.gather [hbm4b:s1+s4], $0x80, v5, vm0, $0xb8;
	[tilespmem:$0x12A80] =	vst v63  }
0x84: {  	v5 =	vld [tilespmem:s0+$0x10];
	_ =	sdelay $0x4  }
0x85: {  	v6 =	vshll.u32 v5, $0x1  }
0x86: {  	v5 =	vand.u32 $0x7, v5;
	v6 =	vand.u32 $0xFFFFFFF0, v6  }
0x87: {  	v5 =	vor.u32 v5, v6  }
0x88: {  	v6 =	vperm.xlane v5, v1;
	_ =	sdelay $0x1  }
0x89: {  	v5 =	vperm.xlane v5, v4;
	v6 =	vadd.s32 v2, v6;
	_ =	sdelay $0x1  }
0x8a: {  	v5 =	vadd.s32 v2, v5;
	_ =	sdelay $0x1  }
0x8b: {  	s14 =	simm.s32 $0xB780  }
0x8c: {  	[tilespmem:s14], [sflag:$0x2] =	stream.indirect_vreg.gather [hbm4b:s1+s4], $0x80, v6, vm0, $0xb8;
	[tilespmem:$0x12A80] =	vst v63  }
0x8d: {  	s15 =	simm.s32 $0xBF80  }
0x8e: {  	[tilespmem:s15], [sflag:$0x2] =	stream.indirect_vreg.gather [hbm4b:s1+s4], $0x80, v5, vm0, $0xb8;
	[tilespmem:$0x12A80] =	vst v63  }
0x8f: {  	v5 =	vld [tilespmem:s0+$0x20];
	_ =	sdelay $0x4  }
0x90: {  	v6 =	vshll.u32 v5, $0x1  }
0x91: {  	v5 =	vand.u32 $0x7, v5;
	v6 =	vand.u32 $0xFFFFFFF0, v6  }
0x92: {  	v5 =	vor.u32 v5, v6  }
0x93: {  	v6 =	vperm.xlane v5, v1;
	_ =	sdelay $0x1  }
0x94: {  	v5 =	vperm.xlane v5, v4;
	v6 =	vadd.s32 v2, v6;
	_ =	sdelay $0x1  }
0x95: {  	v5 =	vadd.s32 v2, v5;
	_ =	sdelay $0x1  }
0x96: {  	s16 =	simm.s32 $0xC780  }
0x97: {  	[tilespmem:s16], [sflag:$0x2] =	stream.indirect_vreg.gather [hbm4b:s1+s4], $0x80, v6, vm0, $0xb8;
	[tilespmem:$0x12A80] =	vst v63  }
0x98: {  	s29 =	simm.s32 $0xCF80  }
0x99: {  	[tilespmem:s29], [sflag:$0x2] =	stream.indirect_vreg.gather [hbm4b:s1+s4], $0x80, v5, vm0, $0xb8;
	[tilespmem:$0x12A80] =	vst v63  }
0x9a: {  	v5 =	vld [tilespmem:s0+$0x30];
	_ =	sdelay $0x4  }
0x9b: {  	v6 =	vshll.u32 v5, $0x1  }
0x9c: {  	v5 =	vand.u32 $0x7, v5;
	v6 =	vand.u32 $0xFFFFFFF0, v6  }
0x9d: {  	v5 =	vor.u32 v5, v6  }
0x9e: {  	v6 =	vperm.xlane v5, v1;
	_ =	sdelay $0x1  }
0x9f: {  	v5 =	vperm.xlane v5, v4;
	v6 =	vadd.s32 v2, v6;
	_ =	sdelay $0x1  }
0xa0: {  	v5 =	vadd.s32 v2, v5;
	_ =	sdelay $0x1  }
0xa1: {  	s31 =	simm.s32 $0xD780  }
0xa2: {  	[tilespmem:s31], [sflag:$0x2] =	stream.indirect_vreg.gather [hbm4b:s1+s4], $0x80, v6, vm0, $0xb8;
	[tilespmem:$0x12A80] =	vst v63  }
0xa3: {  	s10 =	simm.s32 $0xDF80  }
0xa4: {  	[tilespmem:s10], [sflag:$0x2] =	stream.indirect_vreg.gather [hbm4b:s1+s4], $0x80, v5, vm0, $0xb8;
	[tilespmem:$0x12A80] =	vst v63  }
0xa5: {  	v5 =	vld [tilespmem:s0+$0x40];
	_ =	sdelay $0x4  }
0xa6: {  	v6 =	vshll.u32 v5, $0x1  }
0xa7: {  	v5 =	vand.u32 $0x7, v5;
	v6 =	vand.u32 $0xFFFFFFF0, v6  }
0xa8: {  	v5 =	vor.u32 v5, v6  }
0xa9: {  	v6 =	vperm.xlane v5, v1;
	_ =	sdelay $0x1  }
0xaa: {  	v5 =	vperm.xlane v5, v4;
	v6 =	vadd.s32 v2, v6;
	_ =	sdelay $0x1  }
0xab: {  	v5 =	vadd.s32 v2, v5;
	_ =	sdelay $0x1  }
0xac: {  	s11 =	simm.s32 $0xE780  }
0xad: {  	[tilespmem:s11], [sflag:$0x2] =	stream.indirect_vreg.gather [hbm4b:s1+s4], $0x80, v6, vm0, $0xb8;
	[tilespmem:$0x12A80] =	vst v63  }
0xae: {  	s12 =	simm.s32 $0xEF80  }
0xaf: {  	[tilespmem:s12], [sflag:$0x2] =	stream.indirect_vreg.gather [hbm4b:s1+s4], $0x80, v5, vm0, $0xb8;
	[tilespmem:$0x12A80] =	vst v63  }
0xb0: {  	v5 =	vld [tilespmem:s0+$0x50];
	_ =	sdelay $0x4  }
0xb1: {  	v6 =	vshll.u32 v5, $0x1  }
0xb2: {  	v5 =	vand.u32 $0x7, v5;
	v6 =	vand.u32 $0xFFFFFFF0, v6  }
0xb3: {  	v5 =	vor.u32 v5, v6  }
0xb4: {  	v6 =	vperm.xlane v5, v1;
	_ =	sdelay $0x1  }
0xb5: {  	v5 =	vperm.xlane v5, v4;
	v6 =	vadd.s32 v2, v6;
	_ =	sdelay $0x1  }
0xb6: {  	v5 =	vadd.s32 v2, v5;
	_ =	sdelay $0x1  }
0xb7: {  	s13 =	simm.s32 $0xF780  }
0xb8: {  	[tilespmem:s13], [sflag:$0x2] =	stream.indirect_vreg.gather [hbm4b:s1+s4], $0x80, v6, vm0, $0xb8;
	[tilespmem:$0x12A80] =	vst v63  }
0xb9: {  	s14 =	simm.s32 $0xFF80  }
0xba: {  	[tilespmem:s14], [sflag:$0x2] =	stream.indirect_vreg.gather [hbm4b:s1+s4], $0x80, v5, vm0, $0xb8;
	[tilespmem:$0x12A80] =	vst v63  }
0xbb: {  	v5 =	vld [tilespmem:s0+$0x60];
	_ =	sdelay $0x4  }
0xbc: {  	v6 =	vshll.u32 v5, $0x1  }
0xbd: {  	v5 =	vand.u32 $0x7, v5;
	v6 =	vand.u32 $0xFFFFFFF0, v6  }
0xbe: {  	v5 =	vor.u32 v5, v6  }
0xbf: {  	v6 =	vperm.xlane v5, v1;
	_ =	sdelay $0x1  }
0xc0: {  	v5 =	vperm.xlane v5, v4;
	v6 =	vadd.s32 v2, v6;
	_ =	sdelay $0x1  }
0xc1: {  	v5 =	vadd.s32 v2, v5;
	_ =	sdelay $0x1  }
0xc2: {  	s15 =	simm.s32 $0x10780  }
0xc3: {  	[tilespmem:s15], [sflag:$0x2] =	stream.indirect_vreg.gather [hbm4b:s1+s4], $0x80, v6, vm0, $0xb8;
	[tilespmem:$0x12A80] =	vst v63  }
0xc4: {  	s16 =	simm.s32 $0x10F80  }
0xc5: {  	[tilespmem:s16], [sflag:$0x2] =	stream.indirect_vreg.gather [hbm4b:s1+s4], $0x80, v5, vm0, $0xb8;
	[tilespmem:$0x12A80] =	vst v63  }
0xc6: {  	v5 =	vld [tilespmem:s0+$0x70];
	_ =	sdelay $0x4  }
0xc7: {  	v6 =	vshll.u32 v5, $0x1  }
0xc8: {  	v5 =	vand.u32 $0x7, v5;
	v6 =	vand.u32 $0xFFFFFFF0, v6  }
0xc9: {  	v5 =	vor.u32 v5, v6  }
0xca: {  	v6 =	vperm.xlane v5, v1;
	_ =	sdelay $0x1  }
0xcb: {  	v5 =	vperm.xlane v5, v4;
	v6 =	vadd.s32 v2, v6;
	_ =	sdelay $0x1  }
0xcc: {  	v5 =	vadd.s32 v2, v5  }
.Ltmp6:
0xcd: {  	_ = 	snop;
	(pc) =	sbr.rel .LBB2_6-.Ltmp6, $4  }
0xce: {  	s29 =	simm.s32 $0x11780  }
0xcf: {  	[tilespmem:s29], [sflag:$0x2] =	stream.indirect_vreg.gather [hbm4b:s1+s4], $0x80, v6, vm0, $0xb8;
	[tilespmem:$0x12A80] =	vst v63  }
0xd0: {  	s31 =	simm.s32 $0x11F80  }
0xd1: {  	[tilespmem:s31], [sflag:$0x2] =	stream.indirect_vreg.gather [hbm4b:s1+s4], $0x80, v5, vm0, $0xb8;
	[tilespmem:$0x12A80] =	vst v63  }
.LBB2_4:
0xd2: {  	_ =	sdelay $0x2  }
0xd3: {  	s2 =	simm.s32 $0x2780  }
0xd4: {  	[tilespmem:s2], [sflag:$0x1] =	stream.indirect_vreg.gather [hbm4b:s1+s4], $0x80, v6, vm0, $0xb8;
	[tilespmem:$0x12A80] =	vst v63  }
0xd5: {  	s13 =	simm.s32 $0x2F80  }
0xd6: {  	[tilespmem:s13], [sflag:$0x1] =	stream.indirect_vreg.gather [hbm4b:s1+s4], $0x80, v5, vm0, $0xb8;
	[tilespmem:$0x12A80] =	vst v63  }
0xd7: {  	v5 =	vld [tilespmem:s0+$0x10];
	_ =	sdelay $0x4  }
0xd8: {  	v6 =	vshll.u32 v5, $0x1  }
0xd9: {  	v5 =	vand.u32 $0x7, v5;
	v6 =	vand.u32 $0xFFFFFFF0, v6  }
0xda: {  	v5 =	vor.u32 v5, v6  }
0xdb: {  	v6 =	vperm.xlane v5, v1;
	_ =	sdelay $0x1  }
0xdc: {  	v5 =	vperm.xlane v5, v4;
	v6 =	vadd.s32 v2, v6;
	_ =	sdelay $0x1  }
0xdd: {  	v5 =	vadd.s32 v2, v5;
	_ =	sdelay $0x1  }
0xde: {  	s14 =	simm.s32 $0x3780  }
0xdf: {  	[tilespmem:s14], [sflag:$0x1] =	stream.indirect_vreg.gather [hbm4b:s1+s4], $0x80, v6, vm0, $0xb8;
	[tilespmem:$0x12A80] =	vst v63  }
0xe0: {  	s15 =	simm.s32 $0x3F80  }
0xe1: {  	[tilespmem:s15], [sflag:$0x1] =	stream.indirect_vreg.gather [hbm4b:s1+s4], $0x80, v5, vm0, $0xb8;
	[tilespmem:$0x12A80] =	vst v63  }
0xe2: {  	v5 =	vld [tilespmem:s0+$0x20];
	_ =	sdelay $0x4  }
0xe3: {  	v6 =	vshll.u32 v5, $0x1  }
0xe4: {  	v5 =	vand.u32 $0x7, v5;
	v6 =	vand.u32 $0xFFFFFFF0, v6  }
0xe5: {  	v5 =	vor.u32 v5, v6  }
0xe6: {  	v6 =	vperm.xlane v5, v1;
	_ =	sdelay $0x1  }
0xe7: {  	v5 =	vperm.xlane v5, v4;
	v6 =	vadd.s32 v2, v6;
	_ =	sdelay $0x1  }
0xe8: {  	v5 =	vadd.s32 v2, v5;
	_ =	sdelay $0x1  }
0xe9: {  	s16 =	simm.s32 $0x4780  }
0xea: {  	[tilespmem:s16], [sflag:$0x1] =	stream.indirect_vreg.gather [hbm4b:s1+s4], $0x80, v6, vm0, $0xb8;
	[tilespmem:$0x12A80] =	vst v63  }
0xeb: {  	s29 =	simm.s32 $0x4F80  }
0xec: {  	[tilespmem:s29], [sflag:$0x1] =	stream.indirect_vreg.gather [hbm4b:s1+s4], $0x80, v5, vm0, $0xb8;
	[tilespmem:$0x12A80] =	vst v63  }
0xed: {  	v5 =	vld [tilespmem:s0+$0x30];
	_ =	sdelay $0x4  }
0xee: {  	v6 =	vshll.u32 v5, $0x1  }
0xef: {  	v5 =	vand.u32 $0x7, v5;
	v6 =	vand.u32 $0xFFFFFFF0, v6  }
0xf0: {  	v5 =	vor.u32 v5, v6  }
0xf1: {  	v6 =	vperm.xlane v5, v1;
	_ =	sdelay $0x1  }
0xf2: {  	v5 =	vperm.xlane v5, v4;
	v6 =	vadd.s32 v2, v6;
	_ =	sdelay $0x1  }
0xf3: {  	v5 =	vadd.s32 v2, v5;
	_ =	sdelay $0x1  }
0xf4: {  	s31 =	simm.s32 $0x5780  }
0xf5: {  	[tilespmem:s31], [sflag:$0x1] =	stream.indirect_vreg.gather [hbm4b:s1+s4], $0x80, v6, vm0, $0xb8;
	[tilespmem:$0x12A80] =	vst v63  }
0xf6: {  	_ = 	snop  }
0xf7: {  	[tilespmem:s17], [sflag:$0x1] =	stream.indirect_vreg.gather [hbm4b:s1+s4], $0x80, v5, vm0, $0xb8;
	[tilespmem:$0x12A80] =	vst v63  }
0xf8: {  	v5 =	vld [tilespmem:s0+$0x40];
	_ =	sdelay $0x4  }
0xf9: {  	v6 =	vshll.u32 v5, $0x1  }
0xfa: {  	v5 =	vand.u32 $0x7, v5;
	v6 =	vand.u32 $0xFFFFFFF0, v6  }
0xfb: {  	v5 =	vor.u32 v5, v6  }
0xfc: {  	v6 =	vperm.xlane v5, v1;
	_ =	sdelay $0x1  }
0xfd: {  	v5 =	vperm.xlane v5, v4;
	v6 =	vadd.s32 v2, v6;
	_ =	sdelay $0x1  }
0xfe: {  	v5 =	vadd.s32 v2, v5;
	_ =	sdelay $0x2  }
0xff: {  	[tilespmem:s18], [sflag:$0x1] =	stream.indirect_vreg.gather [hbm4b:s1+s4], $0x80, v6, vm0, $0xb8;
	[tilespmem:$0x12A80] =	vst v63  }
0x100: {  	_ = 	snop  }
0x101: {  	[tilespmem:s19], [sflag:$0x1] =	stream.indirect_vreg.gather [hbm4b:s1+s4], $0x80, v5, vm0, $0xb8;
	[tilespmem:$0x12A80] =	vst v63  }
0x102: {  	v5 =	vld [tilespmem:s0+$0x50];
	_ =	sdelay $0x4  }
0x103: {  	v6 =	vshll.u32 v5, $0x1  }
0x104: {  	v5 =	vand.u32 $0x7, v5;
	v6 =	vand.u32 $0xFFFFFFF0, v6  }
0x105: {  	v5 =	vor.u32 v5, v6  }
0x106: {  	v6 =	vperm.xlane v5, v1;
	_ =	sdelay $0x1  }
0x107: {  	v5 =	vperm.xlane v5, v4;
	v6 =	vadd.s32 v2, v6;
	_ =	sdelay $0x1  }
0x108: {  	v5 =	vadd.s32 v2, v5;
	_ =	sdelay $0x2  }
0x109: {  	[tilespmem:s20], [sflag:$0x1] =	stream.indirect_vreg.gather [hbm4b:s1+s4], $0x80, v6, vm0, $0xb8;
	[tilespmem:$0x12A80] =	vst v63  }
0x10a: {  	_ = 	snop  }
0x10b: {  	[tilespmem:s21], [sflag:$0x1] =	stream.indirect_vreg.gather [hbm4b:s1+s4], $0x80, v5, vm0, $0xb8;
	[tilespmem:$0x12A80] =	vst v63  }
0x10c: {  	v5 =	vld [tilespmem:s0+$0x60];
	_ =	sdelay $0x4  }
0x10d: {  	v6 =	vshll.u32 v5, $0x1  }
0x10e: {  	v5 =	vand.u32 $0x7, v5;
	v6 =	vand.u32 $0xFFFFFFF0, v6  }
0x10f: {  	v5 =	vor.u32 v5, v6  }
0x110: {  	v6 =	vperm.xlane v5, v1;
	_ =	sdelay $0x1  }
0x111: {  	v5 =	vperm.xlane v5, v4;
	v6 =	vadd.s32 v2, v6;
	_ =	sdelay $0x1  }
0x112: {  	v5 =	vadd.s32 v2, v5;
	_ =	sdelay $0x2  }
0x113: {  	[tilespmem:s22], [sflag:$0x1] =	stream.indirect_vreg.gather [hbm4b:s1+s4], $0x80, v6, vm0, $0xb8;
	[tilespmem:$0x12A80] =	vst v63  }
0x114: {  	_ = 	snop  }
0x115: {  	[tilespmem:s23], [sflag:$0x1] =	stream.indirect_vreg.gather [hbm4b:s1+s4], $0x80, v5, vm0, $0xb8;
	[tilespmem:$0x12A80] =	vst v63  }
0x116: {  	v5 =	vld [tilespmem:s0+$0x70];
	_ =	sdelay $0x4  }
0x117: {  	v6 =	vshll.u32 v5, $0x1  }
0x118: {  	v5 =	vand.u32 $0x7, v5;
	v6 =	vand.u32 $0xFFFFFFF0, v6  }
0x119: {  	v5 =	vor.u32 v5, v6  }
0x11a: {  	v6 =	vperm.xlane v5, v1;
	_ =	sdelay $0x1  }
0x11b: {  	v5 =	vperm.xlane v5, v4;
	v6 =	vadd.s32 v2, v6;
	_ =	sdelay $0x1  }
0x11c: {  	v5 =	vadd.s32 v2, v5;
	_ =	sdelay $0x2  }
0x11d: {  	[tilespmem:s24], [sflag:$0x1] =	stream.indirect_vreg.gather [hbm4b:s1+s4], $0x80, v6, vm0, $0xb8;
	[tilespmem:$0x12A80] =	vst v63  }
0x11e: {  	_ = 	snop  }
0x11f: {  	[tilespmem:s25], [sflag:$0x1] =	stream.indirect_vreg.gather [hbm4b:s1+s4], $0x80, v5, vm0, $0xb8;
	[tilespmem:$0x12A80] =	vst v63  }
.LBB2_6:
0x120: {  	p1 =	sge.u32 s26, s6  }
.Ltmp7:
0x121: {  	_ = 	snop;
	(pc) =	sbr.rel @p1 .LBB2_12-.Ltmp7, $1  }
0x122: {  	_ =	sdelay $0x3  }
0x123: {  	s0 =	sand.u32 $0x1, s26  }
0x124: {  	p1 =	seq.s32 s0, $0x1;
	s0 =	simm.s32 $0x2  }
0x125: {  	s0 =	simm.s32 @!p1 $0x1  }
0x126: {  	s2 =	simm.s32 $0x1;
	_ =	swait.ge [sflag:s0], $0x8000  }
0x127: {  	s2 =	simm.s32 @!p0 $0x0;
	[sflag:s0] =	ssyncset.done $0x0  }
0x128: {  	s31 =	simm.s32 $0x0;
	s29 =	sshll.u32 s2, $0xF;
	[sflag:s0] =	ssyncadd.s32 $0xFFFF8000  }
.LBB2_8:
0x129: {  	s0 =	sand.u32 $0xB800, s29;
	s2 =	sand.u32 $0x380, s30  }
0x12a: {  	s2 =	sor.u32 s2, s0  }
0x12b: {  	v5 =	vld [tilespmem:s2+$0x6790]  }
0x12c: {  	v6 =	vld [tilespmem:s2+$0x2790]  }
0x12d: {  	v7 =	vld [tilespmem:s2+$0x2780]  }
0x12e: {  	v8 =	vld [tilespmem:s2+$0x6780]  }
0x12f: {  	v9 =	vld [tilespmem:s2+$0x67A0]  }
0x130: {  	v10 =	vld [tilespmem:s2+$0x27A0]  }
0x131: {  	v11 =	vld [tilespmem:s2+$0x67B0]  }
0x132: {  	v12 =	vld [tilespmem:s2+$0x27B0]  }
0x133: {  	v7 =	vmul.f32 v8, v7;
	v5 =	vmul.f32 v5, v6;
	v6 =	vld [tilespmem:s2+$0x67C0]  }
0x134: {  	v8 =	vld [tilespmem:s2+$0x27C0]  }
0x135: {  	v28 =	vld [tilespmem:s2+$0x67D0];
	v5 =	vadd.f32 v5, v7;
	v7 =	vmul.f32 v9, v10  }
0x136: {  	v29 =	vld [tilespmem:s2+$0x27D0]  }
0x137: {  	v30 =	vld [tilespmem:s2+$0x67E0];
	v5 =	vadd.f32 v7, v5;
	v7 =	vmul.f32 v11, v12  }
0x138: {  	v31 =	vld [tilespmem:s2+$0x27E0]  }
0x139: {  	v6 =	vmul.f32 v6, v8;
	v8 =	vld [tilespmem:s2+$0x27F0];
	v5 =	vadd.f32 v7, v5  }
0x13a: {  	s0 =	sor.u32 s0, s30;
	v7 =	vld [tilespmem:s2+$0x67F0]  }
0x13b: {  	s0 =	sor.u32 $0x4400, s0;
	v33 =	vld [tilespmem:s2+$0x2B80];
	v5 =	vadd.f32 v6, v5;
	v6 =	vmul.f32 v28, v29  }
0x13c: {  	v32 =	vld [tilespmem:s0+$0x2780]  }
0x13d: {  	v35 =	vld [tilespmem:s2+$0x2B90];
	v5 =	vadd.f32 v6, v5;
	v6 =	vmul.f32 v30, v31  }
0x13e: {  	v34 =	vld [tilespmem:s0+$0x2790]  }
0x13f: {  	v5 =	vadd.f32 v6, v5;
	v6 =	vmul.f32 v7, v8;
	v7 =	vld [tilespmem:s0+$0x27A0]  }
0x140: {  	v8 =	vld [tilespmem:s2+$0x2BA0]  }
0x141: {  	v37 =	vld [tilespmem:s2+$0x2BB0];
	v5 =	vadd.f32 v6, v5;
	v6 =	vmul.f32 v32, v33  }
0x142: {  	v36 =	vld [tilespmem:s0+$0x27B0]  }
0x143: {  	v39 =	vld [tilespmem:s2+$0x2BC0];
	v5 =	vadd.f32 v6, v5;
	v6 =	vmul.f32 v34, v35  }
0x144: {  	v38 =	vld [tilespmem:s0+$0x27C0]  }
0x145: {  	v5 =	vadd.f32 v6, v5;
	v6 =	vmul.f32 v7, v8;
	v7 =	vld [tilespmem:s0+$0x27D0]  }
0x146: {  	v8 =	vld [tilespmem:s2+$0x2BD0]  }
0x147: {  	v41 =	vld [tilespmem:s2+$0x2BE0];
	v5 =	vadd.f32 v6, v5;
	v6 =	vmul.f32 v36, v37  }
0x148: {  	v40 =	vld [tilespmem:s0+$0x27E0]  }
0x149: {  	v43 =	vld [tilespmem:s2+$0x2BF0];
	v5 =	vadd.f32 v6, v5;
	v6 =	vmul.f32 v38, v39  }
0x14a: {  	v42 =	vld [tilespmem:s0+$0x27F0]  }
0x14b: {  	v5 =	vadd.f32 v6, v5;
	v6 =	vmul.f32 v7, v8;
	_ =	sdelay $0x1  }
0x14c: {  	v5 =	vadd.f32 v6, v5;
	v6 =	vmul.f32 v40, v41;
	_ =	sdelay $0x1  }
0x14d: {  	v5 =	vadd.f32 v6, v5;
	v6 =	vmul.f32 v42, v43;
	_ =	sdelay $0x1  }
0x14e: {  	v5 =	vadd.f32 v6, v5  }
0x14f: {  	s15 =	simm.s32 $0x0  }
0x150: {  	[tilespmem:s15+$0x12780] =	vst v5  }
0x151: {  	v6 =	vld [tilespmem:s15+$0x12788];
	_ =	sdelay $0x4  }
0x152: {  	v5 =	vadd.f32 v6, v5;
	_ =	sdelay $0x1  }
0x153: {  	[tilespmem:s15+$0x12780] =	vst v5  }
0x154: {  	v6 =	vld [tilespmem:s15+$0x12784];
	_ =	sdelay $0x4  }
0x155: {  	v5 =	vadd.f32 v6, v5;
	_ =	sdelay $0x1  }
0x156: {  	[tilespmem:s15+$0x12780] =	vst v5  }
0x157: {  	v6 =	vld [tilespmem:s15+$0x12782];
	_ =	sdelay $0x4  }
0x158: {  	s16 =	sadd.s32 $0x100, s29;
	s10 =	simm.s32 $0x80;
	v5 =	vadd.f32 v6, v5  }
0x159: {  	s11 =	sand.u32 $0xB800, s16;
	s12 =	sand.u32 $0x380, s10  }
0x15a: {  	s12 =	sor.u32 s12, s11;
	[tilespmem:s15+$0x12780] =	vst v5  }
0x15b: {  	v5 =	vld [tilespmem:s12+$0x6790]  }
0x15c: {  	v6 =	vld [tilespmem:s12+$0x2790]  }
0x15d: {  	v7 =	vld [tilespmem:s12+$0x2780]  }
0x15e: {  	v8 =	vld [tilespmem:s12+$0x6780]  }
0x15f: {  	v44 =	vld [tilespmem:s12+$0x67A0]  }
0x160: {  	v45 =	vld [tilespmem:s12+$0x27A0]  }
0x161: {  	v46 =	vld [tilespmem:s12+$0x67B0]  }
0x162: {  	v47 =	vld [tilespmem:s12+$0x27B0]  }
0x163: {  	v7 =	vmul.f32 v8, v7;
	v5 =	vmul.f32 v5, v6;
	v6 =	vld [tilespmem:s12+$0x67C0]  }
0x164: {  	v8 =	vld [tilespmem:s12+$0x27C0]  }
0x165: {  	v48 =	vld [tilespmem:s12+$0x67D0];
	v5 =	vadd.f32 v5, v7;
	v7 =	vmul.f32 v44, v45  }
0x166: {  	v49 =	vld [tilespmem:s12+$0x27D0]  }
0x167: {  	v50 =	vld [tilespmem:s12+$0x67E0];
	v5 =	vadd.f32 v7, v5;
	v7 =	vmul.f32 v46, v47  }
0x168: {  	v51 =	vld [tilespmem:s12+$0x27E0]  }
0x169: {  	s13 =	sor.u32 s11, s10;
	v6 =	vmul.f32 v6, v8;
	v8 =	vld [tilespmem:s12+$0x27F0];
	v5 =	vadd.f32 v7, v5  }
0x16a: {  	s2 =	sor.u32 $0x4400, s13;
	v7 =	vld [tilespmem:s12+$0x67F0]  }
0x16b: {  	v52 =	vld [tilespmem:s2+$0x2780];
	v5 =	vadd.f32 v6, v5;
	v6 =	vmul.f32 v48, v49  }
0x16c: {  	v53 =	vld [tilespmem:s12+$0x2B80]  }
0x16d: {  	v54 =	vld [tilespmem:s2+$0x2790];
	v5 =	vadd.f32 v6, v5;
	v6 =	vmul.f32 v50, v51  }
0x16e: {  	v55 =	vld [tilespmem:s12+$0x2B90]  }
0x16f: {  	v5 =	vadd.f32 v6, v5;
	v6 =	vmul.f32 v7, v8;
	v7 =	vld [tilespmem:s2+$0x27A0]  }
0x170: {  	v8 =	vld [tilespmem:s12+$0x2BA0]  }
0x171: {  	v56 =	vld [tilespmem:s2+$0x27B0];
	v5 =	vadd.f32 v6, v5;
	v6 =	vmul.f32 v52, v53  }
0x172: {  	v57 =	vld [tilespmem:s12+$0x2BB0]  }
0x173: {  	v58 =	vld [tilespmem:s2+$0x27C0];
	v5 =	vadd.f32 v6, v5;
	v6 =	vmul.f32 v54, v55  }
0x174: {  	v59 =	vld [tilespmem:s12+$0x2BC0]  }
0x175: {  	v5 =	vadd.f32 v6, v5;
	v6 =	vmul.f32 v7, v8;
	v7 =	vld [tilespmem:s2+$0x27D0]  }
0x176: {  	v8 =	vld [tilespmem:s12+$0x2BD0]  }
0x177: {  	v60 =	vld [tilespmem:s2+$0x27E0];
	v5 =	vadd.f32 v6, v5;
	v6 =	vmul.f32 v56, v57  }
0x178: {  	v61 =	vld [tilespmem:s12+$0x2BE0]  }
0x179: {  	v62 =	vld [tilespmem:s2+$0x27F0];
	v5 =	vadd.f32 v6, v5;
	v6 =	vmul.f32 v58, v59  }
0x17a: {  	v63 =	vld [tilespmem:s12+$0x2BF0]  }
0x17b: {  	v5 =	vadd.f32 v6, v5;
	v6 =	vmul.f32 v7, v8;
	_ =	sdelay $0x1  }
0x17c: {  	v5 =	vadd.f32 v6, v5;
	v6 =	vmul.f32 v60, v61;
	_ =	sdelay $0x1  }
0x17d: {  	v5 =	vadd.f32 v6, v5;
	v6 =	vmul.f32 v62, v63;
	_ =	sdelay $0x1  }
0x17e: {  	s2 =	simm.s32 $0x12781;
	v5 =	vadd.f32 v6, v5  }
0x17f: {  	s14 =	simm.s32 $0x20;
	v7 =	vld [tilespmem:s2+$0xFFFFFFFF]  }
0x180: {  	v6 =	vld [tilespmem:s2+$0x0];
	[tilespmem:s14+$0x12780] =	vst v5  }
0x181: {  	v8 =	vld [tilespmem:s14+$0x12788];
	_ =	sdelay $0x4  }
0x182: {  	v5 =	vadd.f32 v8, v5;
	_ =	sdelay $0x1  }
0x183: {  	[tilespmem:s14+$0x12780] =	vst v5  }
0x184: {  	v8 =	vld [tilespmem:s14+$0x12784];
	_ =	sdelay $0x4  }
0x185: {  	v5 =	vadd.f32 v8, v5;
	_ =	sdelay $0x1  }
0x186: {  	[tilespmem:s14+$0x12780] =	vst v5  }
0x187: {  	v8 =	vld [tilespmem:s14+$0x12782];
	_ =	sdelay $0x4  }
0x188: {  	s11 =	simm.s32 $0x100;
	s12 =	sadd.s32 $0x100, s16;
	v5 =	vadd.f32 v8, v5  }
0x189: {  	s16 =	sand.u32 $0x380, s11;
	s15 =	sand.u32 $0xB800, s12  }
0x18a: {  	s13 =	sor.u32 s16, s15;
	v7 =	vadd.f32 v6, v7;
	v8 =	vmov s30;
	[tilespmem:s14+$0x12780] =	vst v5  }
0x18b: {  	vm1 =	veq.s32 v8, v0;
	v5 =	vimm.f32 $0.0e+00;
	v6 =	vld [tilespmem:s13+$0x6790]  }
0x18c: {  	s10 =	simm.s32 $0x1;
	s0 =	simm.s32 $0x2;
	s14 =	simm.s32 $0x3;
	v5 =	vsel vm1, v7, v5;
	v7 =	vld [tilespmem:s13+$0x2790]  }
.LBB2_9:
0x18d: {  	p1 =	sne.s32 s14, $0xF;
	v8 =	vld [tilespmem:s13+$0x2780]  }
0x18e: {  	v9 =	vld [tilespmem:s13+$0x6780]  }
0x18f: {  	v10 =	vld [tilespmem:s13+$0x67A0]  }
0x190: {  	v11 =	vld [tilespmem:s13+$0x27A0]  }
0x191: {  	v12 =	vld [tilespmem:s13+$0x67B0]  }
0x192: {  	v13 =	vld [tilespmem:s13+$0x27B0]  }
0x193: {  	v6 =	vmul.f32 v6, v7;
	v8 =	vmul.f32 v9, v8;
	v7 =	vld [tilespmem:s13+$0x67C0]  }
0x194: {  	v9 =	vld [tilespmem:s13+$0x27C0]  }
0x195: {  	v6 =	vadd.f32 v6, v8;
	v8 =	vmul.f32 v10, v11;
	v10 =	vld [tilespmem:s13+$0x67D0]  }
0x196: {  	v11 =	vld [tilespmem:s13+$0x27D0]  }
0x197: {  	v6 =	vadd.f32 v8, v6;
	v8 =	vmul.f32 v12, v13;
	v12 =	vld [tilespmem:s13+$0x67E0]  }
0x198: {  	v13 =	vld [tilespmem:s13+$0x27E0]  }
0x199: {  	s15 =	sor.u32 s15, s11;
	v6 =	vadd.f32 v8, v6;
	v7 =	vmul.f32 v7, v9;
	v8 =	vld [tilespmem:s13+$0x67F0]  }
0x19a: {  	s15 =	sor.u32 $0x4400, s15;
	v9 =	vld [tilespmem:s13+$0x27F0]  }
0x19b: {  	v6 =	vadd.f32 v7, v6;
	v7 =	vmul.f32 v10, v11;
	v10 =	vld [tilespmem:s15+$0x2780]  }
0x19c: {  	v11 =	vld [tilespmem:s13+$0x2B80]  }
0x19d: {  	v6 =	vadd.f32 v7, v6;
	v7 =	vmul.f32 v12, v13;
	v12 =	vld [tilespmem:s15+$0x2790]  }
0x19e: {  	v13 =	vld [tilespmem:s13+$0x2B90]  }
0x19f: {  	v6 =	vadd.f32 v7, v6;
	v7 =	vmul.f32 v8, v9;
	v8 =	vld [tilespmem:s15+$0x27A0]  }
0x1a0: {  	v9 =	vld [tilespmem:s13+$0x2BA0]  }
0x1a1: {  	v6 =	vadd.f32 v7, v6;
	v7 =	vmul.f32 v10, v11;
	v10 =	vld [tilespmem:s15+$0x27B0]  }
0x1a2: {  	v11 =	vld [tilespmem:s13+$0x2BB0]  }
0x1a3: {  	v6 =	vadd.f32 v7, v6;
	v7 =	vmul.f32 v12, v13;
	v12 =	vld [tilespmem:s15+$0x27C0]  }
0x1a4: {  	v13 =	vld [tilespmem:s13+$0x2BC0]  }
0x1a5: {  	v6 =	vadd.f32 v7, v6;
	v7 =	vmul.f32 v8, v9;
	v8 =	vld [tilespmem:s15+$0x27D0]  }
0x1a6: {  	v9 =	vld [tilespmem:s13+$0x2BD0]  }
0x1a7: {  	v6 =	vadd.f32 v7, v6;
	v7 =	vmul.f32 v10, v11;
	v10 =	vld [tilespmem:s15+$0x27E0]  }
0x1a8: {  	v11 =	vld [tilespmem:s13+$0x2BE0]  }
0x1a9: {  	v6 =	vadd.f32 v7, v6;
	v7 =	vmul.f32 v12, v13;
	v12 =	vld [tilespmem:s15+$0x27F0]  }
0x1aa: {  	s2 =	sadd.s32 $0x1F, s2;
	v13 =	vld [tilespmem:s13+$0x2BF0]  }
0x1ab: {  	v6 =	vadd.f32 v7, v6;
	v7 =	vmul.f32 v8, v9;
	v8 =	vld [tilespmem:s2+$0xFFFFFFFF]  }
0x1ac: {  	v9 =	vld [tilespmem:s2+$0x0]  }
0x1ad: {  	v6 =	vadd.f32 v7, v6;
	v7 =	vmul.f32 v10, v11;
	_ =	sdelay $0x1  }
0x1ae: {  	v6 =	vadd.f32 v7, v6;
	v7 =	vmul.f32 v12, v13;
	_ =	sdelay $0x1  }
0x1af: {  	v6 =	vadd.f32 v7, v6;
	v7 =	vmov s10;
	v8 =	vadd.f32 v9, v8;
	s10 =	smov.u32 s0;
	s0 =	smov.u32 s14  }
0x1b0: {  	s16 =	sshra.s32 s11, $0x2;
	vm1 =	veq.s32 v7, v0  }
0x1b1: {  	[tilespmem:s16+$0x12780] =	vst v6;
	v5 =	vsel vm1, v8, v5  }
0x1b2: {  	v7 =	vld [tilespmem:s16+$0x12788];
	_ =	sdelay $0x4  }
0x1b3: {  	v6 =	vadd.f32 v7, v6;
	_ =	sdelay $0x1  }
0x1b4: {  	[tilespmem:s16+$0x12780] =	vst v6  }
0x1b5: {  	v7 =	vld [tilespmem:s16+$0x12784];
	_ =	sdelay $0x4  }
0x1b6: {  	v6 =	vadd.f32 v7, v6;
	_ =	sdelay $0x1  }
0x1b7: {  	[tilespmem:s16+$0x12780] =	vst v6  }
0x1b8: {  	v7 =	vld [tilespmem:s16+$0x12782];
	_ =	sdelay $0x4  }
.Ltmp8:
0x1b9: {  	s12 =	sadd.s32 $0x100, s12;
	s11 =	sadd.s32 $0x80, s11;
	v6 =	vadd.f32 v7, v6;
	(pc) =	sbr.rel @p1 .LBB2_9-.Ltmp8, $4  }
0x1ba: {  	s15 =	sand.u32 $0xB800, s12;
	s13 =	sand.u32 $0x380, s11  }
0x1bb: {  	s13 =	sor.u32 s13, s15;
	[tilespmem:s16+$0x12780] =	vst v6  }
0x1bc: {  	v6 =	vld [tilespmem:s13+$0x6790]  }
0x1bd: {  	s14 =	sadd.s32 $0x1, s14;
	v7 =	vld [tilespmem:s13+$0x2790]  }
0x1be: {  	v8 =	vld [tilespmem:s13+$0x2780]  }
0x1bf: {  	v9 =	vld [tilespmem:s13+$0x6780]  }
0x1c0: {  	v10 =	vld [tilespmem:s13+$0x67A0]  }
0x1c1: {  	v11 =	vld [tilespmem:s13+$0x27A0]  }
0x1c2: {  	v12 =	vld [tilespmem:s13+$0x67B0]  }
0x1c3: {  	v13 =	vld [tilespmem:s13+$0x27B0]  }
0x1c4: {  	v32 =	vld [tilespmem:s13+$0x27C0];
	v6 =	vmul.f32 v6, v7;
	v8 =	vmul.f32 v9, v8  }
0x1c5: {  	v7 =	vld [tilespmem:s13+$0x67C0]  }
0x1c6: {  	v34 =	vld [tilespmem:s13+$0x67D0];
	v33 =	vmul.f32 v10, v11;
	v6 =	vadd.f32 v6, v8  }
0x1c7: {  	v35 =	vld [tilespmem:s13+$0x27D0]  }
0x1c8: {  	v37 =	vld [tilespmem:s13+$0x67E0];
	v36 =	vmul.f32 v12, v13;
	v6 =	vadd.f32 v33, v6  }
0x1c9: {  	v38 =	vld [tilespmem:s13+$0x27E0]  }
0x1ca: {  	v39 =	vld [tilespmem:s13+$0x67F0];
	v7 =	vmul.f32 v7, v32;
	v6 =	vadd.f32 v36, v6  }
0x1cb: {  	s12 =	sor.u32 s15, s11;
	v40 =	vld [tilespmem:s13+$0x27F0]  }
0x1cc: {  	v42 =	vld [tilespmem:s13+$0x2B80];
	s12 =	sor.u32 $0x4400, s12;
	v6 =	vadd.f32 v7, v6;
	v7 =	vmul.f32 v34, v35  }
0x1cd: {  	v41 =	vld [tilespmem:s12+$0x2780]  }
0x1ce: {  	v44 =	vld [tilespmem:s13+$0x2B90];
	v6 =	vadd.f32 v7, v6;
	v7 =	vmul.f32 v37, v38  }
0x1cf: {  	v43 =	vld [tilespmem:s12+$0x2790]  }
0x1d0: {  	v46 =	vld [tilespmem:s13+$0x2BA0];
	v6 =	vadd.f32 v7, v6;
	v7 =	vmul.f32 v39, v40  }
0x1d1: {  	v45 =	vld [tilespmem:s12+$0x27A0]  }
0x1d2: {  	v48 =	vld [tilespmem:s13+$0x2BB0];
	v6 =	vadd.f32 v7, v6;
	v7 =	vmul.f32 v41, v42  }
0x1d3: {  	v47 =	vld [tilespmem:s12+$0x27B0]  }
0x1d4: {  	v50 =	vld [tilespmem:s13+$0x2BC0];
	v6 =	vadd.f32 v7, v6;
	v7 =	vmul.f32 v43, v44  }
0x1d5: {  	v49 =	vld [tilespmem:s12+$0x27C0]  }
0x1d6: {  	v52 =	vld [tilespmem:s13+$0x2BD0];
	v6 =	vadd.f32 v7, v6;
	v7 =	vmul.f32 v45, v46  }
0x1d7: {  	v51 =	vld [tilespmem:s12+$0x27D0]  }
0x1d8: {  	v54 =	vld [tilespmem:s13+$0x2BE0];
	v6 =	vadd.f32 v7, v6;
	v7 =	vmul.f32 v47, v48  }
0x1d9: {  	v53 =	vld [tilespmem:s12+$0x27E0]  }
0x1da: {  	v56 =	vld [tilespmem:s13+$0x2BF0];
	v6 =	vadd.f32 v7, v6;
	v7 =	vmul.f32 v49, v50  }
0x1db: {  	v55 =	vld [tilespmem:s12+$0x27F0]  }
0x1dc: {  	v6 =	vadd.f32 v7, v6;
	v7 =	vmul.f32 v51, v52;
	_ =	sdelay $0x1  }
0x1dd: {  	v6 =	vadd.f32 v7, v6;
	v7 =	vmul.f32 v53, v54;
	_ =	sdelay $0x1  }
0x1de: {  	v6 =	vadd.f32 v7, v6;
	v7 =	vmul.f32 v55, v56;
	_ =	sdelay $0x1  }
0x1df: {  	s2 =	sadd.s32 $0x1F, s2;
	v6 =	vadd.f32 v7, v6  }
0x1e0: {  	s15 =	sshra.s32 s11, $0x2;
	v57 =	vld [tilespmem:s2+$0xFFFFFFFF]  }
0x1e1: {  	v7 =	vld [tilespmem:s2+$0x0];
	[tilespmem:s15+$0x12780] =	vst v6  }
0x1e2: {  	v58 =	vld [tilespmem:s15+$0x12788];
	_ =	sdelay $0x4  }
0x1e3: {  	v6 =	vadd.f32 v58, v6;
	_ =	sdelay $0x1  }
0x1e4: {  	[tilespmem:s15+$0x12780] =	vst v6  }
0x1e5: {  	v59 =	vld [tilespmem:s15+$0x12784];
	_ =	sdelay $0x4  }
0x1e6: {  	v6 =	vadd.f32 v59, v6;
	_ =	sdelay $0x1  }
0x1e7: {  	[tilespmem:s15+$0x12780] =	vst v6  }
0x1e8: {  	v60 =	vld [tilespmem:s15+$0x12782];
	_ =	sdelay $0x4  }
0x1e9: {  	v6 =	vadd.f32 v60, v6;
	_ =	sdelay $0x1  }
0x1ea: {  	s2 =	sadd.s32 $0x1F, s2;
	[tilespmem:s15+$0x12780] =	vst v6  }
0x1eb: {  	v6 =	vld [tilespmem:s2+$0xFFFFFFFF]  }
0x1ec: {  	v61 =	vld [tilespmem:s2+$0x0];
	_ =	sdelay $0x3  }
0x1ed: {  	v62 =	vmov s10;
	v7 =	vadd.f32 v7, v57  }
0x1ee: {  	v63 =	vmov s0;
	vm1 =	veq.s32 v62, v0;
	v6 =	vadd.f32 v61, v6  }
0x1ef: {  	v5 =	vsel vm1, v7, v5;
	vm1 =	veq.s32 v63, v0  }
0x1f0: {  	v5 =	vsel vm1, v6, v5  }
0x1f1: {  	v5 =	vsub.f32 $0.0e+00, v5;
	_ =	sdelay $0x1  }
0x1f2: {  	v5 =	vmul.f32 $1.442695020e+00, v5;
	_ =	sdelay $0x1  }
0x1f3: {  	(erf) = vpow2.f32 v5;
	_ =	sdelay $0x8  }
0x1f4: {  	v5 =	vpop (erf)  }
0x1f5: {  	v5 =	vadd.f32 $1.000000000e+00, v5;
	_ =	sdelay $0x1  }
0x1f6: {  	(erf) = vrcp.f32 v5;
	_ =	sdelay $0x3  }
0x1f7: {  	s16 =	sshll.u32 s31, $0x4;
	s31 =	sadd.s32 $0x1, s31  }
0x1f8: {  	p1 =	sne.s32 s31, $0x4  }
.Ltmp9:
0x1f9: {  	_ = 	snop;
	(pc) =	sbr.rel @p1 .LBB2_8-.Ltmp9, $3  }
0x1fa: {  	_ =	sdelay $0x1  }
0x1fb: {  	s0 =	sand.u32 $0x3FFFFFF0, s16;
	v5 =	vpop (erf)  }
0x1fc: {  	s29 =	sadd.s32 $0x1000, s29;
	[tilespmem:s0+$0x12A00] =	vst v5  }
0x1fd: {  	s0 =	sadd.s32 s5, s26  }
0x1fe: {  	s0 =	sshll.u32 s0, $0x3  }
0x1ff: {  	s0 =	sand.u32 $0x1FFFFFF8, s0  }
.Ltmp10:
0x200: {  	s0 =	sadd.s32 s3, s0;
	(pc) =	sbr.rel .LBB2_12-.Ltmp10, $4  }
0x201: {  	[hbm4b:s0+s4] =	stream.linear.scatter [tilespmem:s7], [sflag:$0x3], $0x40, $0x38;
	[tilespmem:$0x12A80] =	vst v63  }
0x202: {  	_ =	swait.ge [sflag:s9], $0x40  }
0x203: {  	[sflag:s9] =	ssyncset.done $0x0  }
0x204: {  	[sflag:s9] =	ssyncadd.s32 $0xFFFFFFC0  }
.LBB2_14:
0x205: {  	_ =	sfence.sel $0x180000  }
0x206: {  	[bflag:$0x0] =	sbarrier.arrive $0xFFFF  }
0x207: {  	_ =	strace $0x90000047  }
0x208: {  	s0 =	stileid.u32;
	[bflag:$0x2] =	sbarrier.arrive $0xFFFF  }
0x209: {  	p0 =	sne.s32 s0, $0x0;
	s0 =	rddreg [dreg:$0x3]  }
0x20a: {  	s0 =	sadd.s32 @!p0 $0x100000, s0  }
0x20b: {  	[sflag:s0] =	ssyncadd.tile.s32 @!p0 $0x1;
	_ =	shalt  }
.Lfunc_end2:
_tile_overlayer_lowered:
.L_overlay_start_2:
0x20c: {  	(tag) =	ssettag $0x2  }
0x20d: {  	s0 =	rddreg [dreg:$0x0];
	s2 =	stileid.u32  }
0x20e: {  	s1 =	rddreg [dreg:$0x1];
	p0 =	sne.s32 s2, $0x0  }
0x20f: {  	s3 =	rddreg [dreg:$0x2];
	[bflag:$0x3] =	sbarrier.arrive $0xFFFF;
	s2 =	simm.s32 @!p0 $0x1C03  }
0x210: {  	[timem:s3], [sflag:s2] =	dma.local @!p0 [hbm:s0], s1  }
0x211: {  	s0 =	simm.s32 @!p0 $0x3  }
0x212: {  	_ =	swait.ge @!p0 [sflag:s0], s1  }
0x213: {  	s1 =	ssub.s32 @!p0 $0x0, s1;
	[sflag:s0] =	ssyncset.done @!p0 $0x0  }
0x214: {  	[sflag:s0] =	ssyncadd.s32 @!p0 s1  }
0x215: {  	[bflag:$0x3] =	sbarrier.arrive $0xFFFF  }
0x216: {  	_ =	shalt  }

</sc_bundles>
